<compile_context>
chip_gen: v7x
topology: tpu7x:2x2x1
jax: 0.10.2.dev20260603
libtpu: 0.0.44.dev20260713+nightly
codegen_flags: <defaults>
</compile_context>

<pallas_src>
import functools

import jax
import jax.numpy as jnp
from jax import lax
from jax.experimental import pallas as pl
from jax.experimental.pallas import tpu as pltpu
from jax.experimental.pallas import tpu_sc as plsc

N_G = 1024
H_IMG = 128
W_IMG = 128
FX = 110.9
FY = 110.9
CX = 64.0
CY = 64.0
NEAR = 0.01
FAR = 100.0
MAX_RADIUS = 32.0


def _b16(x):
    return x.astype(jnp.bfloat16).astype(jnp.float32)


def _project_kernel(view_ref, px_ref, py_ref, pz_ref, sx_ref, sy_ref, sz_ref,
                    qw_ref, qx_ref, qy_ref, qz_ref, op_ref, out_ref):
    v = view_ref
    vb = [[_b16(v[i, j]) for j in range(4)] for i in range(4)]
    px = _b16(px_ref[...])
    py = _b16(py_ref[...])
    pz = _b16(pz_ref[...])
    pcx = vb[0][0] * px + vb[0][1] * py + vb[0][2] * pz + vb[0][3]
    pcy = vb[1][0] * px + vb[1][1] * py + vb[1][2] * pz + vb[1][3]
    pcz = vb[2][0] * px + vb[2][1] * py + vb[2][2] * pz + vb[2][3]
    depth = -pcz

    qw = qw_ref[...]
    qx = qx_ref[...]
    qy = qy_ref[...]
    qz = qz_ref[...]
    qn = jnp.sqrt(qw * qw + qx * qx + qy * qy + qz * qz) + 1e-12
    w = qw / qn
    x = qx / qn
    y = qy / qn
    z = qz / qn
    r = [[1 - 2 * y * y - 2 * z * z, 2 * x * y - 2 * w * z, 2 * x * z + 2 * w * y],
         [2 * x * y + 2 * w * z, 1 - 2 * x * x - 2 * z * z, 2 * y * z - 2 * w * x],
         [2 * x * z - 2 * w * y, 2 * y * z + 2 * w * x, 1 - 2 * x * x - 2 * y * y]]
    s = [_b16(sx_ref[...]), _b16(sy_ref[...]), _b16(sz_ref[...])]
    rc = [[vb[i][0] * _b16(r[0][j]) + vb[i][1] * _b16(r[1][j])
           + vb[i][2] * _b16(r[2][j]) for j in range(3)] for i in range(3)]
    rs = [[_b16(rc[i][j]) * s[j] for j in range(3)] for i in range(3)]
    rsb = [[_b16(rs[i][j]) for j in range(3)] for i in range(3)]
    cov = [[rsb[i][0] * rsb[j][0] + rsb[i][1] * rsb[j][1] + rsb[i][2] * rsb[j][2]
            for j in range(3)] for i in range(3)]

    zsafe = jnp.maximum(jnp.abs(pcz), 0.01) * jnp.sign(pcz + 1e-8)
    z2 = zsafe * zsafe
    j00 = FX / -zsafe
    j02 = FX * pcx / z2
    j11 = FY / zsafe
    j12 = FY * pcy / z2
    j00b = _b16(j00)
    j02b = _b16(j02)
    j11b = _b16(j11)
    j12b = _b16(j12)
    covb = [[_b16(cov[i][j]) for j in range(3)] for i in range(3)]
    t00 = j00b * covb[0][0] + j02b * covb[2][0]
    t01 = j00b * covb[0][1] + j02b * covb[2][1]
    t02 = j00b * covb[0][2] + j02b * covb[2][2]
    t10 = j11b * covb[1][0] + j12b * covb[2][0]
    t11 = j11b * covb[1][1] + j12b * covb[2][1]
    t12 = j11b * covb[1][2] + j12b * covb[2][2]
    a = _b16(t00) * j00b + _b16(t02) * j02b
    b = _b16(t01) * j11b + _b16(t02) * j12b
    c = _b16(t10) * j00b + _b16(t12) * j02b
    d = _b16(t11) * j11b + _b16(t12) * j12b

    u = FX * pcx / -zsafe + CX
    vv = FY * -pcy / -zsafe + CY
    trace = a + d
    det = jnp.maximum(a * d - b * c, 1e-6)
    disc = jnp.maximum(trace * trace - 4.0 * det, 0.0)
    max_eig = (trace + jnp.sqrt(disc)) / 2.0
    radii = jnp.minimum(3.0 * jnp.sqrt(jnp.maximum(max_eig, 1e-6)), MAX_RADIUS)

    vis = ((depth > NEAR) & (depth < FAR)
           & (u + radii > 0) & (u - radii < W_IMG)
           & (vv + radii > 0) & (vv - radii < H_IMG))

    ar = a + 0.3
    dr = d + 0.3
    br = b
    det_r = jnp.maximum(ar * dr - br * br, 1e-6)
    inv_a = dr / det_r
    inv_d = ar / det_r
    inv_b = -br / det_r
    oe = op_ref[...] * vis.astype(jnp.float32)

    out_ref[0] = depth
    out_ref[1] = u
    out_ref[2] = vv
    out_ref[3] = inv_a
    out_ref[4] = inv_b
    out_ref[5] = inv_d
    out_ref[6] = oe
    out_ref[7] = radii


def _rank_kernel(dcol_ref, drow_ref, icol_ref, irow_ref, out_ref):
    dcol = dcol_ref[...]
    drow = drow_ref[...]
    icol = icol_ref[...]
    irow = irow_ref[...]
    lt = jnp.where((dcol < drow) | ((dcol == drow) & (icol < irow)), 1.0, 0.0)
    out_ref[...] = jnp.sum(lt, axis=0, keepdims=True)


_SC_TILES = 32
_ROWS_PER_TILE = N_G // _SC_TILES


_MCOLS = 128


def _sc_sort_scatter(m_hbm, rank_hbm, out_hbm, idx_v, rows_v, sem):
    wid = lax.axis_index("s") * 2 + lax.axis_index("c")
    base = wid * _ROWS_PER_TILE
    pltpu.sync_copy(rank_hbm.at[pl.ds(base, _ROWS_PER_TILE)], idx_v)
    pltpu.sync_copy(m_hbm.at[pl.ds(base, _ROWS_PER_TILE)], rows_v)
    pltpu.async_copy(rows_v, out_hbm.at[idx_v], sem).wait()


def _sorted_params(depth, m):
    f32 = jnp.float32
    dcol = depth.reshape(N_G, 1)
    drow = depth.reshape(1, N_G)
    idx = jnp.arange(N_G, dtype=f32)
    icol = idx.reshape(N_G, 1)
    irow = idx.reshape(1, N_G)
    rank = pl.pallas_call(
        _rank_kernel,
        out_shape=jax.ShapeDtypeStruct((1, N_G), f32),
    )(dcol, drow, icol, irow)
    rank_i = rank.reshape(N_G).astype(jnp.int32)

    mesh = plsc.VectorSubcoreMesh(core_axis_name="c", subcore_axis_name="s")
    scatter = functools.partial(
        pl.kernel, mesh=mesh,
        out_type=jax.ShapeDtypeStruct((N_G, _MCOLS), f32),
        scratch_types=[
            pltpu.VMEM((_ROWS_PER_TILE,), jnp.int32),
            pltpu.VMEM((_ROWS_PER_TILE, _MCOLS), f32),
            pltpu.SemaphoreType.DMA,
        ],
    )(_sc_sort_scatter)
    return scatter(m, rank_i)[:, :16]


_WROWS = 80


def _raster_kernel(ms_ref, out_ref, t_ref):
    t_ref[...] = jnp.ones((H_IMG, W_IMG), jnp.float32)
    out_ref[...] = jnp.zeros((3, H_IMG, W_IMG), jnp.float32)

    xs = jax.lax.broadcasted_iota(
        jnp.int32, (_WROWS, W_IMG), 1).astype(jnp.float32) + 0.5

    def alpha_for(g):
        u = ms_ref[g, 0]
        v = ms_ref[g, 1]
        inv_a = ms_ref[g, 2]
        inv_b = ms_ref[g, 3]
        inv_d = ms_ref[g, 4]
        oe = ms_ref[g, 5]
        rad = ms_ref[g, 6]
        r2 = rad * rad
        lo = jnp.maximum(jnp.floor(v - rad).astype(jnp.int32) - 1, 0)
        lo = (lo // 8) * 8
        start = pl.multiple_of(jnp.clip(lo, 0, H_IMG - _WROWS), 8)
        ys = (jax.lax.broadcasted_iota(jnp.int32, (_WROWS, W_IMG), 0)
              + start).astype(jnp.float32) + 0.5
        dx = xs - u
        dy = ys - v
        dx2 = dx * dx
        dy2 = dy * dy
        power = -0.5 * (inv_a * dx2 + inv_d * dy2) - inv_b * (dx * dy)
        power = jnp.minimum(power, 0.0)
        gauss = jnp.exp(power)
        alpha = jnp.where(dx2 + dy2 <= r2, oe * gauss, 0.0)
        return start, jnp.minimum(alpha, 0.99)

    def apply(g, start, alpha):
        c0b = _b16(ms_ref[g, 7])
        c1b = _b16(ms_ref[g, 8])
        c2b = _b16(ms_ref[g, 9])
        tcur = t_ref[pl.ds(start, _WROWS), :]
        wgt = _b16(tcur * alpha)
        out_ref[0, pl.ds(start, _WROWS), :] += wgt * c0b
        out_ref[1, pl.ds(start, _WROWS), :] += wgt * c1b
        out_ref[2, pl.ds(start, _WROWS), :] += wgt * c2b
        t_ref[pl.ds(start, _WROWS), :] = tcur * (1.0 - alpha)

    def body(gp, carry):
        g0 = 4 * gp
        s0, a0 = alpha_for(g0)
        s1, a1 = alpha_for(g0 + 1)
        apply(g0, s0, a0)
        s2, a2 = alpha_for(g0 + 2)
        apply(g0 + 1, s1, a1)
        s3, a3 = alpha_for(g0 + 3)
        apply(g0 + 2, s2, a2)
        apply(g0 + 3, s3, a3)
        return carry

    jax.lax.fori_loop(0, N_G // 4, body, 0)


def kernel(positions, scales, rotations, colors, opacities, view_matrix):
    f32 = jnp.float32
    px = positions[:, 0].reshape(8, 128)
    py = positions[:, 1].reshape(8, 128)
    pz = positions[:, 2].reshape(8, 128)
    sx = scales[:, 0].reshape(8, 128)
    sy = scales[:, 1].reshape(8, 128)
    sz = scales[:, 2].reshape(8, 128)
    qw = rotations[:, 0].reshape(8, 128)
    qx = rotations[:, 1].reshape(8, 128)
    qy = rotations[:, 2].reshape(8, 128)
    qz = rotations[:, 3].reshape(8, 128)
    op = opacities.reshape(8, 128)

    proj = pl.pallas_call(
        _project_kernel,
        out_shape=jax.ShapeDtypeStruct((8, 8, 128), f32),
        in_specs=[pl.BlockSpec(memory_space=pltpu.SMEM)]
                 + [pl.BlockSpec(memory_space=pltpu.VMEM)] * 11,
    )(view_matrix, px, py, pz, sx, sy, sz, qw, qx, qy, qz, op)

    flat = proj.reshape(8, N_G)
    depth = flat[0]
    m = jnp.concatenate(
        [flat[1:8].T, colors, jnp.zeros((N_G, _MCOLS - 10), f32)], axis=1)
    ms = _sorted_params(depth, m)

    img = pl.pallas_call(
        _raster_kernel,
        out_shape=jax.ShapeDtypeStruct((3, H_IMG, W_IMG), f32),
        in_specs=[pl.BlockSpec(memory_space=pltpu.SMEM)],
        scratch_shapes=[pltpu.VMEM((H_IMG, W_IMG), f32)],
    )(ms)
    return jnp.transpose(img, (1, 2, 0))

# --- scband reference (transcript-rebuilt; emitter-appended) ---
"""Pipeline reference for scband-tile-based-renderer-28501402977041 (READ-ONLY COPY).

The authoritative reference and input builder live on the scoring server;
editing this copy changes nothing except your own understanding.
"""

import jax, jax.numpy as jnp
import numpy as np

N_GAUSS = 1024
H_IMG = 128
W_IMG = 128
FX = 110.9; FY = 110.9; CX = 64.0; CY = 64.0
NEAR = 0.01; FAR = 100.0
MAX_RADIUS = 32.0

def quat_to_rot(q):
    q = q / (jnp.linalg.norm(q, axis=-1, keepdims=True) + 1e-12)
    w, x, y, z = q[..., 0], q[..., 1], q[..., 2], q[..., 3]
    R = jnp.stack([1 - 2*y*y - 2*z*z, 2*x*y - 2*w*z, 2*x*z + 2*w*y,
                   2*x*y + 2*w*z, 1 - 2*x*x - 2*z*z, 2*y*z - 2*w*x,
                   2*x*z - 2*w*y, 2*y*z + 2*w*x, 1 - 2*x*x - 2*y*y], axis=-1)
    return R.reshape(q.shape[:-1] + (3, 3))

def _forward(positions, scales, rotations, colors, opacities, view_matrix):
    N = positions.shape[0]
    ph = jnp.concatenate([positions, jnp.ones((N, 1), dtype=positions.dtype)], axis=1)
    pc = (view_matrix @ ph.T).T[:, :3]
    depths = -pc[:, 2]
    R = quat_to_rot(rotations)
    S = scales[:, None, :] * jnp.eye(3, dtype=scales.dtype)[None]
    R_cam = jnp.matmul(view_matrix[:3, :3], R)
    RS = jnp.matmul(R_cam, S)
    cov3d = jnp.matmul(RS, jnp.swapaxes(RS, -1, -2))
    x = pc[:, 0]; y = pc[:, 1]; z = pc[:, 2]
    z_safe = jnp.clip(jnp.abs(z), 0.01, None) * jnp.sign(z + 1e-8)
    z2 = z_safe * z_safe
    zeros = jnp.zeros_like(x)
    J = jnp.stack([jnp.stack([FX / -z_safe, zeros, FX * x / z2], axis=-1),
                   jnp.stack([zeros, FY / z_safe, FY * y / z2], axis=-1)], axis=-2)
    cov2d = jnp.matmul(jnp.matmul(J, cov3d), jnp.swapaxes(J, -1, -2))
    u = FX * x / -z_safe + CX
    v = FY * -y / -z_safe + CY
    means2d = jnp.stack([u, v], axis=1)
    a = cov2d[:, 0, 0]; b = cov2d[:, 0, 1]; c = cov2d[:, 1, 0]; d = cov2d[:, 1, 1]
    trace = a + d
    det = jnp.clip(a * d - b * c, 1e-6, None)
    disc = jnp.clip(trace * trace - 4.0 * det, 0.0, None)
    max_eig = (trace + jnp.sqrt(disc)) / 2.0
    radii = jnp.clip(3.0 * jnp.sqrt(jnp.clip(max_eig, 1e-6, None)), None, MAX_RADIUS)
    order = jnp.argsort(depths)
    means2d = means2d[order]; cov2d = cov2d[order]; colors_s = colors[order]
    opac_s = opacities[order]; depths_s = depths[order]; radii_s = radii[order]
    visible = (depths_s > NEAR) & (depths_s < FAR)
    visible &= (means2d[:, 0] + radii_s > 0) & (means2d[:, 0] - radii_s < W_IMG)
    visible &= (means2d[:, 1] + radii_s > 0) & (means2d[:, 1] - radii_s < H_IMG)
    ar = cov2d[:, 0, 0] + 0.3
    dr = cov2d[:, 1, 1] + 0.3
    br = cov2d[:, 0, 1]
    det_r = jnp.clip(ar * dr - br * br, 1e-6, None)
    inv_a = dr / det_r; inv_d = ar / det_r; inv_b = -br / det_r
    ys, xs = jnp.meshgrid(jnp.arange(H_IMG, dtype=jnp.float32) + 0.5,
                          jnp.arange(W_IMG, dtype=jnp.float32) + 0.5, indexing='ij')
    dx = xs[None, :, :] - means2d[:, 0][:, None, None]
    dy = ys[None, :, :] - means2d[:, 1][:, None, None]
    power = -0.5 * (inv_a[:, None, None] * dx * dx + inv_d[:, None, None] * dy * dy) - inv_b[:, None, None] * dx * dy
    power = jnp.minimum(power, 0.0)
    gauss = jnp.exp(power)
    within = ((dx * dx + dy * dy) <= (radii_s[:, None, None] ** 2)).astype(jnp.float32)
    alpha = opac_s[:, None, None] * gauss * within * visible[:, None, None].astype(jnp.float32)
    alpha = jnp.clip(alpha, 0.0, 0.99)
    T = jnp.cumprod(1.0 - alpha, axis=0)
    T_prev = jnp.concatenate([jnp.ones((1, H_IMG, W_IMG), dtype=alpha.dtype), T[:-1]], axis=0)
    wgt = T_prev * alpha
    img = jnp.einsum('nhw,nc->hwc', wgt, colors_s)
    background = jnp.zeros((3,), dtype=img.dtype)
    img = img + T[-1][:, :, None] * background
    return img

def setup_inputs(seed: int = 0) -> dict:
    key = jax.random.key(seed)
    k1, k2, k3, k4, k5 = jax.random.split(key, 5)
    N = N_GAUSS
    positions = jax.random.normal(k1, (N, 3), dtype=jnp.float32) * jnp.array([1.5, 1.5, 1.0], dtype=jnp.float32) + jnp.array([0.0, 0.0, -6.0], dtype=jnp.float32)
    scales = jax.random.uniform(k2, (N, 3), dtype=jnp.float32) * 0.15 + 0.02
    rotations = jax.random.normal(k3, (N, 4), dtype=jnp.float32)
    colors = jax.random.uniform(k4, (N, 3), dtype=jnp.float32)
    opacities = jax.random.uniform(k5, (N,), dtype=jnp.float32) * 0.9 + 0.05
    view_matrix = jnp.eye(4, dtype=jnp.float32)
    return {'positions': positions, 'scales': scales, 'rotations': rotations, 'colors': colors, 'opacities': opacities, 'view_matrix': view_matrix}

def reference(positions, scales, rotations, colors, opacities, view_matrix):
    return _forward(positions, scales, rotations, colors, opacities, view_matrix)

if __name__ == "__main__":
    import jax
    _d = setup_inputs()
    print(jax.jit(kernel)(*tuple(_d.values())))

</pallas_src>

<mosaic_0001>
#map = affine_map<(d0, d1) -> (0, 0)>
#map1 = affine_map<(d0, d1) -> (0)>
module attributes {stable_mosaic.version = 14 : i64} {
  func.func @_sc_sort_scatter(%arg0: i32, %arg1: i32, %arg2: memref<1024x128xf32, #tpu.memory_space<hbm>>, %arg3: memref<1024xi32, #tpu.memory_space<hbm>>, %arg4: memref<1024x128xf32, #tpu.memory_space<hbm>>, %arg5: memref<32xi32, #tpu.memory_space<vmem>>, %arg6: memref<32x128xf32, #tpu.memory_space<vmem>>, %arg7: memref<!tpu.dma_semaphore, #tpu.memory_space<semaphore_mem>>) attributes {dimension_semantics = [#tpu.dimension_semantics<core_parallel>, #tpu.dimension_semantics<subcore_parallel>], iteration_bounds = array<i64: 2, 16>, scalar_prefetch = 0 : i64, scratch_operands = 3 : i64, tpu.core_type = #tpu.core_type<sc_vector_subcore>, window_params = [{transform_indices = #map}, {transform_indices = #map1}, {transform_indices = #map}]} {
    %mul3A = arith.constant 2 : i32
    %mul3A_0 = arith.muli %arg1, %mul3A : i32
    %add3A = arith.addi %mul3A_0, %arg0 : i32
    %mul3A_1 = arith.constant 32 : i32
    %mul3A_2 = arith.muli %add3A, %mul3A_1 : i32
    "tpu.region"() ({
      %run_scoped3A = tpu.sem_alloc : memref<!tpu.dma_semaphore, #tpu.memory_space<semaphore_mem>>
      %dma_start3A_7 = tpu.memref_slice %arg3[%mul3A_2] : memref<1024xi32, #tpu.memory_space<hbm>> -> memref<32xi32, #tpu.memory_space<hbm>>
      %dma_start3A_8 = tpu.memref_slice %arg3[%mul3A_2] : memref<1024xi32, #tpu.memory_space<hbm>> -> memref<32xi32, #tpu.memory_space<hbm>>
      tpu.enqueue_dma source(%dma_start3A_8 : memref<32xi32, #tpu.memory_space<hbm>>) target(%arg5 : memref<32xi32, #tpu.memory_space<vmem>>) target_semaphore(%run_scoped3A : memref<!tpu.dma_semaphore, #tpu.memory_space<semaphore_mem>>)
      %dma_wait3A_9 = tpu.memref_slice %arg3[%mul3A_2] : memref<1024xi32, #tpu.memory_space<hbm>> -> memref<32xi32, #tpu.memory_space<hbm>>
      %dma_wait3A_10 = tpu.memref_slice %arg3[%mul3A_2] : memref<1024xi32, #tpu.memory_space<hbm>> -> memref<32xi32, #tpu.memory_space<hbm>>
      tpu.wait_dma2 semaphore(%run_scoped3A : memref<!tpu.dma_semaphore, #tpu.memory_space<semaphore_mem>>) src(%dma_wait3A_10 : memref<32xi32, #tpu.memory_space<hbm>>) dst(%arg5 : memref<32xi32, #tpu.memory_space<vmem>>)
      tpu.yield
    }) : () -> ()
    "tpu.region"() ({
      %run_scoped3A = tpu.sem_alloc : memref<!tpu.dma_semaphore, #tpu.memory_space<semaphore_mem>>
      %dma_start3A_7 = arith.constant 0 : i32
      %dma_start3A_8 = tpu.memref_slice %arg2[%mul3A_2, %dma_start3A_7] : memref<1024x128xf32, #tpu.memory_space<hbm>> -> memref<32x128xf32, #tpu.memory_space<hbm>>
      %dma_start3A_9 = arith.constant 0 : i32
      %dma_start3A_10 = tpu.memref_slice %arg2[%mul3A_2, %dma_start3A_9] : memref<1024x128xf32, #tpu.memory_space<hbm>> -> memref<32x128xf32, #tpu.memory_space<hbm>>
      tpu.enqueue_dma source(%dma_start3A_10 : memref<32x128xf32, #tpu.memory_space<hbm>>) target(%arg6 : memref<32x128xf32, #tpu.memory_space<vmem>>) target_semaphore(%run_scoped3A : memref<!tpu.dma_semaphore, #tpu.memory_space<semaphore_mem>>)
      %dma_wait3A_11 = arith.constant 0 : i32
      %dma_wait3A_12 = tpu.memref_slice %arg2[%mul3A_2, %dma_wait3A_11] : memref<1024x128xf32, #tpu.memory_space<hbm>> -> memref<32x128xf32, #tpu.memory_space<hbm>>
      %dma_wait3A_13 = arith.constant 0 : i32
      %dma_wait3A_14 = tpu.memref_slice %arg2[%mul3A_2, %dma_wait3A_13] : memref<1024x128xf32, #tpu.memory_space<hbm>> -> memref<32x128xf32, #tpu.memory_space<hbm>>
      tpu.wait_dma2 semaphore(%run_scoped3A : memref<!tpu.dma_semaphore, #tpu.memory_space<semaphore_mem>>) src(%dma_wait3A_14 : memref<32x128xf32, #tpu.memory_space<hbm>>) dst(%arg6 : memref<32x128xf32, #tpu.memory_space<vmem>>)
      tpu.yield
    }) : () -> ()
    %dma_start3A = arith.constant 0 : i32
    %dma_start3A_3 = arith.constant 0 : i32
    %dma_start3A_4 = tpu.memref_slice %arg4[%dma_start3A, %dma_start3A_3] : memref<1024x128xf32, #tpu.memory_space<hbm>> -> memref<1024x128xf32, #tpu.memory_space<hbm>>
    tpu.enqueue_indirect_dma source(%arg6 : memref<32x128xf32, #tpu.memory_space<vmem>>) target(%dma_start3A_4 : memref<1024x128xf32, #tpu.memory_space<hbm>>) offsets(%arg5 : memref<32xi32, #tpu.memory_space<vmem>>) semaphore(%arg7 : memref<!tpu.dma_semaphore, #tpu.memory_space<semaphore_mem>>)
    %dma_wait3A = arith.constant 0 : i32
    %dma_wait3A_5 = arith.constant 0 : i32
    %dma_wait3A_6 = tpu.memref_slice %arg4[%dma_wait3A, %dma_wait3A_5] : memref<1024x128xf32, #tpu.memory_space<hbm>> -> memref<1024x128xf32, #tpu.memory_space<hbm>>
    tpu.wait_indirect_dma semaphore(%arg7 : memref<!tpu.dma_semaphore, #tpu.memory_space<semaphore_mem>>) src(%arg6 : memref<32x128xf32, #tpu.memory_space<vmem>>) dst(%dma_wait3A_6 : memref<1024x128xf32, #tpu.memory_space<hbm>>)
    return
  }
}

module attributes {stable_mosaic.version = 14 : i64} {
  func.func @_project_kernel(%arg0: memref<4x4xf32, #tpu.memory_space<smem>>, %arg1: memref<8x128xf32, #tpu.memory_space<vmem>>, %arg2: memref<8x128xf32, #tpu.memory_space<vmem>>, %arg3: memref<8x128xf32, #tpu.memory_space<vmem>>, %arg4: memref<8x128xf32, #tpu.memory_space<vmem>>, %arg5: memref<8x128xf32, #tpu.memory_space<vmem>>, %arg6: memref<8x128xf32, #tpu.memory_space<vmem>>, %arg7: memref<8x128xf32, #tpu.memory_space<vmem>>, %arg8: memref<8x128xf32, #tpu.memory_space<vmem>>, %arg9: memref<8x128xf32, #tpu.memory_space<vmem>>, %arg10: memref<8x128xf32, #tpu.memory_space<vmem>>, %arg11: memref<8x128xf32, #tpu.memory_space<vmem>>, %arg12: memref<8x8x128xf32, #tpu.memory_space<vmem>>) attributes {dimension_semantics = [], scalar_prefetch = 0 : i64, scratch_operands = 0 : i64, tpu.core_type = #tpu.core_type<tc>} {
    %get3A = arith.constant 0 : index
    %get3A_0 = arith.constant 0 : index
    %get3A_1 = memref.load %arg0[%get3A, %get3A_0] : memref<4x4xf32, #tpu.memory_space<smem>>
    %convert_element_type3A = arith.truncf %get3A_1 : f32 to bf16
    %convert_element_type3A_2 = arith.extf %convert_element_type3A : bf16 to f32
    %get3A_3 = arith.constant 0 : index
    %get3A_4 = arith.constant 1 : index
    %get3A_5 = memref.load %arg0[%get3A_3, %get3A_4] : memref<4x4xf32, #tpu.memory_space<smem>>
    %convert_element_type3A_6 = arith.truncf %get3A_5 : f32 to bf16
    %convert_element_type3A_7 = arith.extf %convert_element_type3A_6 : bf16 to f32
    %get3A_8 = arith.constant 0 : index
    %get3A_9 = arith.constant 2 : index
    %get3A_10 = memref.load %arg0[%get3A_8, %get3A_9] : memref<4x4xf32, #tpu.memory_space<smem>>
    %convert_element_type3A_11 = arith.truncf %get3A_10 : f32 to bf16
    %convert_element_type3A_12 = arith.extf %convert_element_type3A_11 : bf16 to f32
    %get3A_13 = arith.constant 0 : index
    %get3A_14 = arith.constant 3 : index
    %get3A_15 = memref.load %arg0[%get3A_13, %get3A_14] : memref<4x4xf32, #tpu.memory_space<smem>>
    %convert_element_type3A_16 = arith.truncf %get3A_15 : f32 to bf16
    %convert_element_type3A_17 = arith.extf %convert_element_type3A_16 : bf16 to f32
    %get3A_18 = arith.constant 1 : index
    %get3A_19 = arith.constant 0 : index
    %get3A_20 = memref.load %arg0[%get3A_18, %get3A_19] : memref<4x4xf32, #tpu.memory_space<smem>>
    %convert_element_type3A_21 = arith.truncf %get3A_20 : f32 to bf16
    %convert_element_type3A_22 = arith.extf %convert_element_type3A_21 : bf16 to f32
    %get3A_23 = arith.constant 1 : index
    %get3A_24 = arith.constant 1 : index
    %get3A_25 = memref.load %arg0[%get3A_23, %get3A_24] : memref<4x4xf32, #tpu.memory_space<smem>>
    %convert_element_type3A_26 = arith.truncf %get3A_25 : f32 to bf16
    %convert_element_type3A_27 = arith.extf %convert_element_type3A_26 : bf16 to f32
    %get3A_28 = arith.constant 1 : index
    %get3A_29 = arith.constant 2 : index
    %get3A_30 = memref.load %arg0[%get3A_28, %get3A_29] : memref<4x4xf32, #tpu.memory_space<smem>>
    %convert_element_type3A_31 = arith.truncf %get3A_30 : f32 to bf16
    %convert_element_type3A_32 = arith.extf %convert_element_type3A_31 : bf16 to f32
    %get3A_33 = arith.constant 1 : index
    %get3A_34 = arith.constant 3 : index
    %get3A_35 = memref.load %arg0[%get3A_33, %get3A_34] : memref<4x4xf32, #tpu.memory_space<smem>>
    %convert_element_type3A_36 = arith.truncf %get3A_35 : f32 to bf16
    %convert_element_type3A_37 = arith.extf %convert_element_type3A_36 : bf16 to f32
    %get3A_38 = arith.constant 2 : index
    %get3A_39 = arith.constant 0 : index
    %get3A_40 = memref.load %arg0[%get3A_38, %get3A_39] : memref<4x4xf32, #tpu.memory_space<smem>>
    %convert_element_type3A_41 = arith.truncf %get3A_40 : f32 to bf16
    %convert_element_type3A_42 = arith.extf %convert_element_type3A_41 : bf16 to f32
    %get3A_43 = arith.constant 2 : index
    %get3A_44 = arith.constant 1 : index
    %get3A_45 = memref.load %arg0[%get3A_43, %get3A_44] : memref<4x4xf32, #tpu.memory_space<smem>>
    %convert_element_type3A_46 = arith.truncf %get3A_45 : f32 to bf16
    %convert_element_type3A_47 = arith.extf %convert_element_type3A_46 : bf16 to f32
    %get3A_48 = arith.constant 2 : index
    %get3A_49 = arith.constant 2 : index
    %get3A_50 = memref.load %arg0[%get3A_48, %get3A_49] : memref<4x4xf32, #tpu.memory_space<smem>>
    %convert_element_type3A_51 = arith.truncf %get3A_50 : f32 to bf16
    %convert_element_type3A_52 = arith.extf %convert_element_type3A_51 : bf16 to f32
    %get3A_53 = arith.constant 2 : index
    %get3A_54 = arith.constant 3 : index
    %get3A_55 = memref.load %arg0[%get3A_53, %get3A_54] : memref<4x4xf32, #tpu.memory_space<smem>>
    %convert_element_type3A_56 = arith.truncf %get3A_55 : f32 to bf16
    %convert_element_type3A_57 = arith.extf %convert_element_type3A_56 : bf16 to f32
    %get3A_58 = arith.constant 0 : index
    %get3A_59 = arith.constant 0 : index
    %get3A_60 = vector.load %arg1[%get3A_58, %get3A_59] : memref<8x128xf32, #tpu.memory_space<vmem>>, vector<8x128xf32>
    %convert_element_type3A_61 = arith.truncf %get3A_60 : vector<8x128xf32> to vector<8x128xbf16>
    %convert_element_type3A_62 = arith.extf %convert_element_type3A_61 : vector<8x128xbf16> to vector<8x128xf32>
    %get3A_63 = arith.constant 0 : index
    %get3A_64 = arith.constant 0 : index
    %get3A_65 = vector.load %arg2[%get3A_63, %get3A_64] : memref<8x128xf32, #tpu.memory_space<vmem>>, vector<8x128xf32>
    %convert_element_type3A_66 = arith.truncf %get3A_65 : vector<8x128xf32> to vector<8x128xbf16>
    %convert_element_type3A_67 = arith.extf %convert_element_type3A_66 : vector<8x128xbf16> to vector<8x128xf32>
    %get3A_68 = arith.constant 0 : index
    %get3A_69 = arith.constant 0 : index
    %get3A_70 = vector.load %arg3[%get3A_68, %get3A_69] : memref<8x128xf32, #tpu.memory_space<vmem>>, vector<8x128xf32>
    %convert_element_type3A_71 = arith.truncf %get3A_70 : vector<8x128xf32> to vector<8x128xbf16>
    %convert_element_type3A_72 = arith.extf %convert_element_type3A_71 : vector<8x128xbf16> to vector<8x128xf32>
    %mul3A = vector.broadcast %convert_element_type3A_2 : f32 to vector<8x128xf32>
    %mul3A_73 = arith.mulf %mul3A, %convert_element_type3A_62 : vector<8x128xf32>
    %mul3A_74 = vector.broadcast %convert_element_type3A_7 : f32 to vector<8x128xf32>
    %mul3A_75 = arith.mulf %mul3A_74, %convert_element_type3A_67 : vector<8x128xf32>
    %add3A = arith.addf %mul3A_73, %mul3A_75 : vector<8x128xf32>
    %mul3A_76 = vector.broadcast %convert_element_type3A_12 : f32 to vector<8x128xf32>
    %mul3A_77 = arith.mulf %mul3A_76, %convert_element_type3A_72 : vector<8x128xf32>
    %add3A_78 = arith.addf %add3A, %mul3A_77 : vector<8x128xf32>
    %add3A_79 = vector.broadcast %convert_element_type3A_17 : f32 to vector<8x128xf32>
    %add3A_80 = arith.addf %add3A_78, %add3A_79 : vector<8x128xf32>
    %mul3A_81 = vector.broadcast %convert_element_type3A_22 : f32 to vector<8x128xf32>
    %mul3A_82 = arith.mulf %mul3A_81, %convert_element_type3A_62 : vector<8x128xf32>
    %mul3A_83 = vector.broadcast %convert_element_type3A_27 : f32 to vector<8x128xf32>
    %mul3A_84 = arith.mulf %mul3A_83, %convert_element_type3A_67 : vector<8x128xf32>
    %add3A_85 = arith.addf %mul3A_82, %mul3A_84 : vector<8x128xf32>
    %mul3A_86 = vector.broadcast %convert_element_type3A_32 : f32 to vector<8x128xf32>
    %mul3A_87 = arith.mulf %mul3A_86, %convert_element_type3A_72 : vector<8x128xf32>
    %add3A_88 = arith.addf %add3A_85, %mul3A_87 : vector<8x128xf32>
    %add3A_89 = vector.broadcast %convert_element_type3A_37 : f32 to vector<8x128xf32>
    %add3A_90 = arith.addf %add3A_88, %add3A_89 : vector<8x128xf32>
    %mul3A_91 = vector.broadcast %convert_element_type3A_42 : f32 to vector<8x128xf32>
    %mul3A_92 = arith.mulf %mul3A_91, %convert_element_type3A_62 : vector<8x128xf32>
    %mul3A_93 = vector.broadcast %convert_element_type3A_47 : f32 to vector<8x128xf32>
    %mul3A_94 = arith.mulf %mul3A_93, %convert_element_type3A_67 : vector<8x128xf32>
    %add3A_95 = arith.addf %mul3A_92, %mul3A_94 : vector<8x128xf32>
    %mul3A_96 = vector.broadcast %convert_element_type3A_52 : f32 to vector<8x128xf32>
    %mul3A_97 = arith.mulf %mul3A_96, %convert_element_type3A_72 : vector<8x128xf32>
    %add3A_98 = arith.addf %add3A_95, %mul3A_97 : vector<8x128xf32>
    %add3A_99 = vector.broadcast %convert_element_type3A_57 : f32 to vector<8x128xf32>
    %add3A_100 = arith.addf %add3A_98, %add3A_99 : vector<8x128xf32>
    %neg3A = arith.constant 0.000000e+00 : f32
    %neg3A_101 = vector.broadcast %neg3A : f32 to vector<8x128xf32>
    %neg3A_102 = arith.subf %neg3A_101, %add3A_100 : vector<8x128xf32>
    %get3A_103 = arith.constant 0 : index
    %get3A_104 = arith.constant 0 : index
    %get3A_105 = vector.load %arg7[%get3A_103, %get3A_104] : memref<8x128xf32, #tpu.memory_space<vmem>>, vector<8x128xf32>
    %get3A_106 = arith.constant 0 : index
    %get3A_107 = arith.constant 0 : index
    %get3A_108 = vector.load %arg8[%get3A_106, %get3A_107] : memref<8x128xf32, #tpu.memory_space<vmem>>, vector<8x128xf32>
    %get3A_109 = arith.constant 0 : index
    %get3A_110 = arith.constant 0 : index
    %get3A_111 = vector.load %arg9[%get3A_109, %get3A_110] : memref<8x128xf32, #tpu.memory_space<vmem>>, vector<8x128xf32>
    %get3A_112 = arith.constant 0 : index
    %get3A_113 = arith.constant 0 : index
    %get3A_114 = vector.load %arg10[%get3A_112, %get3A_113] : memref<8x128xf32, #tpu.memory_space<vmem>>, vector<8x128xf32>
    %mul3A_115 = arith.mulf %get3A_105, %get3A_105 : vector<8x128xf32>
    %mul3A_116 = arith.mulf %get3A_108, %get3A_108 : vector<8x128xf32>
    %add3A_117 = arith.addf %mul3A_115, %mul3A_116 : vector<8x128xf32>
    %mul3A_118 = arith.mulf %get3A_111, %get3A_111 : vector<8x128xf32>
    %add3A_119 = arith.addf %add3A_117, %mul3A_118 : vector<8x128xf32>
    %mul3A_120 = arith.mulf %get3A_114, %get3A_114 : vector<8x128xf32>
    %add3A_121 = arith.addf %add3A_119, %mul3A_120 : vector<8x128xf32>
    %sqrt3A = math.sqrt %add3A_121 : vector<8x128xf32>
    %add3A_122 = arith.constant 9.99999996E-13 : f32
    %add3A_123 = vector.broadcast %add3A_122 : f32 to vector<8x128xf32>
    %add3A_124 = arith.addf %sqrt3A, %add3A_123 : vector<8x128xf32>
    %div3A = arith.divf %get3A_105, %add3A_124 : vector<8x128xf32>
    %div3A_125 = arith.divf %get3A_108, %add3A_124 : vector<8x128xf32>
    %div3A_126 = arith.divf %get3A_111, %add3A_124 : vector<8x128xf32>
    %div3A_127 = arith.divf %get3A_114, %add3A_124 : vector<8x128xf32>
    %mul3A_128 = arith.constant 2.000000e+00 : f32
    %mul3A_129 = vector.broadcast %mul3A_128 : f32 to vector<8x128xf32>
    %mul3A_130 = arith.mulf %mul3A_129, %div3A_126 : vector<8x128xf32>
    %mul3A_131 = arith.mulf %mul3A_130, %div3A_126 : vector<8x128xf32>
    %sub3A = arith.constant 1.000000e+00 : f32
    %sub3A_132 = vector.broadcast %sub3A : f32 to vector<8x128xf32>
    %sub3A_133 = arith.subf %sub3A_132, %mul3A_131 : vector<8x128xf32>
    %mul3A_134 = arith.constant 2.000000e+00 : f32
    %mul3A_135 = vector.broadcast %mul3A_134 : f32 to vector<8x128xf32>
    %mul3A_136 = arith.mulf %mul3A_135, %div3A_127 : vector<8x128xf32>
    %mul3A_137 = arith.mulf %mul3A_136, %div3A_127 : vector<8x128xf32>
    %sub3A_138 = arith.subf %sub3A_133, %mul3A_137 : vector<8x128xf32>
    %mul3A_139 = arith.constant 2.000000e+00 : f32
    %mul3A_140 = vector.broadcast %mul3A_139 : f32 to vector<8x128xf32>
    %mul3A_141 = arith.mulf %mul3A_140, %div3A_125 : vector<8x128xf32>
    %mul3A_142 = arith.mulf %mul3A_141, %div3A_126 : vector<8x128xf32>
    %mul3A_143 = arith.constant 2.000000e+00 : f32
    %mul3A_144 = vector.broadcast %mul3A_143 : f32 to vector<8x128xf32>
    %mul3A_145 = arith.mulf %mul3A_144, %div3A : vector<8x128xf32>
    %mul3A_146 = arith.mulf %mul3A_145, %div3A_127 : vector<8x128xf32>
    %sub3A_147 = arith.subf %mul3A_142, %mul3A_146 : vector<8x128xf32>
    %mul3A_148 = arith.constant 2.000000e+00 : f32
    %mul3A_149 = vector.broadcast %mul3A_148 : f32 to vector<8x128xf32>
    %mul3A_150 = arith.mulf %mul3A_149, %div3A_125 : vector<8x128xf32>
    %mul3A_151 = arith.mulf %mul3A_150, %div3A_127 : vector<8x128xf32>
    %mul3A_152 = arith.constant 2.000000e+00 : f32
    %mul3A_153 = vector.broadcast %mul3A_152 : f32 to vector<8x128xf32>
    %mul3A_154 = arith.mulf %mul3A_153, %div3A : vector<8x128xf32>
    %mul3A_155 = arith.mulf %mul3A_154, %div3A_126 : vector<8x128xf32>
    %add3A_156 = arith.addf %mul3A_151, %mul3A_155 : vector<8x128xf32>
    %mul3A_157 = arith.constant 2.000000e+00 : f32
    %mul3A_158 = vector.broadcast %mul3A_157 : f32 to vector<8x128xf32>
    %mul3A_159 = arith.mulf %mul3A_158, %div3A_125 : vector<8x128xf32>
    %mul3A_160 = arith.mulf %mul3A_159, %div3A_126 : vector<8x128xf32>
    %mul3A_161 = arith.constant 2.000000e+00 : f32
    %mul3A_162 = vector.broadcast %mul3A_161 : f32 to vector<8x128xf32>
    %mul3A_163 = arith.mulf %mul3A_162, %div3A : vector<8x128xf32>
    %mul3A_164 = arith.mulf %mul3A_163, %div3A_127 : vector<8x128xf32>
    %add3A_165 = arith.addf %mul3A_160, %mul3A_164 : vector<8x128xf32>
    %mul3A_166 = arith.constant 2.000000e+00 : f32
    %mul3A_167 = vector.broadcast %mul3A_166 : f32 to vector<8x128xf32>
    %mul3A_168 = arith.mulf %mul3A_167, %div3A_125 : vector<8x128xf32>
    %mul3A_169 = arith.mulf %mul3A_168, %div3A_125 : vector<8x128xf32>
    %sub3A_170 = arith.constant 1.000000e+00 : f32
    %sub3A_171 = vector.broadcast %sub3A_170 : f32 to vector<8x128xf32>
    %sub3A_172 = arith.subf %sub3A_171, %mul3A_169 : vector<8x128xf32>
    %mul3A_173 = arith.constant 2.000000e+00 : f32
    %mul3A_174 = vector.broadcast %mul3A_173 : f32 to vector<8x128xf32>
    %mul3A_175 = arith.mulf %mul3A_174, %div3A_127 : vector<8x128xf32>
    %mul3A_176 = arith.mulf %mul3A_175, %div3A_127 : vector<8x128xf32>
    %sub3A_177 = arith.subf %sub3A_172, %mul3A_176 : vector<8x128xf32>
    %mul3A_178 = arith.constant 2.000000e+00 : f32
    %mul3A_179 = vector.broadcast %mul3A_178 : f32 to vector<8x128xf32>
    %mul3A_180 = arith.mulf %mul3A_179, %div3A_126 : vector<8x128xf32>
    %mul3A_181 = arith.mulf %mul3A_180, %div3A_127 : vector<8x128xf32>
    %mul3A_182 = arith.constant 2.000000e+00 : f32
    %mul3A_183 = vector.broadcast %mul3A_182 : f32 to vector<8x128xf32>
    %mul3A_184 = arith.mulf %mul3A_183, %div3A : vector<8x128xf32>
    %mul3A_185 = arith.mulf %mul3A_184, %div3A_125 : vector<8x128xf32>
    %sub3A_186 = arith.subf %mul3A_181, %mul3A_185 : vector<8x128xf32>
    %mul3A_187 = arith.constant 2.000000e+00 : f32
    %mul3A_188 = vector.broadcast %mul3A_187 : f32 to vector<8x128xf32>
    %mul3A_189 = arith.mulf %mul3A_188, %div3A_125 : vector<8x128xf32>
    %mul3A_190 = arith.mulf %mul3A_189, %div3A_127 : vector<8x128xf32>
    %mul3A_191 = arith.constant 2.000000e+00 : f32
    %mul3A_192 = vector.broadcast %mul3A_191 : f32 to vector<8x128xf32>
    %mul3A_193 = arith.mulf %mul3A_192, %div3A : vector<8x128xf32>
    %mul3A_194 = arith.mulf %mul3A_193, %div3A_126 : vector<8x128xf32>
    %sub3A_195 = arith.subf %mul3A_190, %mul3A_194 : vector<8x128xf32>
    %mul3A_196 = arith.constant 2.000000e+00 : f32
    %mul3A_197 = vector.broadcast %mul3A_196 : f32 to vector<8x128xf32>
    %mul3A_198 = arith.mulf %mul3A_197, %div3A_126 : vector<8x128xf32>
    %mul3A_199 = arith.mulf %mul3A_198, %div3A_127 : vector<8x128xf32>
    %mul3A_200 = arith.constant 2.000000e+00 : f32
    %mul3A_201 = vector.broadcast %mul3A_200 : f32 to vector<8x128xf32>
    %mul3A_202 = arith.mulf %mul3A_201, %div3A : vector<8x128xf32>
    %mul3A_203 = arith.mulf %mul3A_202, %div3A_125 : vector<8x128xf32>
    %add3A_204 = arith.addf %mul3A_199, %mul3A_203 : vector<8x128xf32>
    %mul3A_205 = arith.constant 2.000000e+00 : f32
    %mul3A_206 = vector.broadcast %mul3A_205 : f32 to vector<8x128xf32>
    %mul3A_207 = arith.mulf %mul3A_206, %div3A_125 : vector<8x128xf32>
    %mul3A_208 = arith.mulf %mul3A_207, %div3A_125 : vector<8x128xf32>
    %sub3A_209 = arith.constant 1.000000e+00 : f32
    %sub3A_210 = vector.broadcast %sub3A_209 : f32 to vector<8x128xf32>
    %sub3A_211 = arith.subf %sub3A_210, %mul3A_208 : vector<8x128xf32>
    %mul3A_212 = arith.constant 2.000000e+00 : f32
    %mul3A_213 = vector.broadcast %mul3A_212 : f32 to vector<8x128xf32>
    %mul3A_214 = arith.mulf %mul3A_213, %div3A_126 : vector<8x128xf32>
    %mul3A_215 = arith.mulf %mul3A_214, %div3A_126 : vector<8x128xf32>
    %sub3A_216 = arith.subf %sub3A_211, %mul3A_215 : vector<8x128xf32>
    %get3A_217 = arith.constant 0 : index
    %get3A_218 = arith.constant 0 : index
    %get3A_219 = vector.load %arg4[%get3A_217, %get3A_218] : memref<8x128xf32, #tpu.memory_space<vmem>>, vector<8x128xf32>
    %convert_element_type3A_220 = arith.truncf %get3A_219 : vector<8x128xf32> to vector<8x128xbf16>
    %convert_element_type3A_221 = arith.extf %convert_element_type3A_220 : vector<8x128xbf16> to vector<8x128xf32>
    %get3A_222 = arith.constant 0 : index
    %get3A_223 = arith.constant 0 : index
    %get3A_224 = vector.load %arg5[%get3A_222, %get3A_223] : memref<8x128xf32, #tpu.memory_space<vmem>>, vector<8x128xf32>
    %convert_element_type3A_225 = arith.truncf %get3A_224 : vector<8x128xf32> to vector<8x128xbf16>
    %convert_element_type3A_226 = arith.extf %convert_element_type3A_225 : vector<8x128xbf16> to vector<8x128xf32>
    %get3A_227 = arith.constant 0 : index
    %get3A_228 = arith.constant 0 : index
    %get3A_229 = vector.load %arg6[%get3A_227, %get3A_228] : memref<8x128xf32, #tpu.memory_space<vmem>>, vector<8x128xf32>
    %convert_element_type3A_230 = arith.truncf %get3A_229 : vector<8x128xf32> to vector<8x128xbf16>
    %convert_element_type3A_231 = arith.extf %convert_element_type3A_230 : vector<8x128xbf16> to vector<8x128xf32>
    %convert_element_type3A_232 = arith.truncf %sub3A_138 : vector<8x128xf32> to vector<8x128xbf16>
    %convert_element_type3A_233 = arith.extf %convert_element_type3A_232 : vector<8x128xbf16> to vector<8x128xf32>
    %mul3A_234 = vector.broadcast %convert_element_type3A_2 : f32 to vector<8x128xf32>
    %mul3A_235 = arith.mulf %mul3A_234, %convert_element_type3A_233 : vector<8x128xf32>
    %convert_element_type3A_236 = arith.truncf %add3A_165 : vector<8x128xf32> to vector<8x128xbf16>
    %convert_element_type3A_237 = arith.extf %convert_element_type3A_236 : vector<8x128xbf16> to vector<8x128xf32>
    %mul3A_238 = vector.broadcast %convert_element_type3A_7 : f32 to vector<8x128xf32>
    %mul3A_239 = arith.mulf %mul3A_238, %convert_element_type3A_237 : vector<8x128xf32>
    %add3A_240 = arith.addf %mul3A_235, %mul3A_239 : vector<8x128xf32>
    %convert_element_type3A_241 = arith.truncf %sub3A_195 : vector<8x128xf32> to vector<8x128xbf16>
    %convert_element_type3A_242 = arith.extf %convert_element_type3A_241 : vector<8x128xbf16> to vector<8x128xf32>
    %mul3A_243 = vector.broadcast %convert_element_type3A_12 : f32 to vector<8x128xf32>
    %mul3A_244 = arith.mulf %mul3A_243, %convert_element_type3A_242 : vector<8x128xf32>
    %add3A_245 = arith.addf %add3A_240, %mul3A_244 : vector<8x128xf32>
    %convert_element_type3A_246 = arith.truncf %sub3A_147 : vector<8x128xf32> to vector<8x128xbf16>
    %convert_element_type3A_247 = arith.extf %convert_element_type3A_246 : vector<8x128xbf16> to vector<8x128xf32>
    %mul3A_248 = vector.broadcast %convert_element_type3A_2 : f32 to vector<8x128xf32>
    %mul3A_249 = arith.mulf %mul3A_248, %convert_element_type3A_247 : vector<8x128xf32>
    %convert_element_type3A_250 = arith.truncf %sub3A_177 : vector<8x128xf32> to vector<8x128xbf16>
    %convert_element_type3A_251 = arith.extf %convert_element_type3A_250 : vector<8x128xbf16> to vector<8x128xf32>
    %mul3A_252 = vector.broadcast %convert_element_type3A_7 : f32 to vector<8x128xf32>
    %mul3A_253 = arith.mulf %mul3A_252, %convert_element_type3A_251 : vector<8x128xf32>
    %add3A_254 = arith.addf %mul3A_249, %mul3A_253 : vector<8x128xf32>
    %convert_element_type3A_255 = arith.truncf %add3A_204 : vector<8x128xf32> to vector<8x128xbf16>
    %convert_element_type3A_256 = arith.extf %convert_element_type3A_255 : vector<8x128xbf16> to vector<8x128xf32>
    %mul3A_257 = vector.broadcast %convert_element_type3A_12 : f32 to vector<8x128xf32>
    %mul3A_258 = arith.mulf %mul3A_257, %convert_element_type3A_256 : vector<8x128xf32>
    %add3A_259 = arith.addf %add3A_254, %mul3A_258 : vector<8x128xf32>
    %convert_element_type3A_260 = arith.truncf %add3A_156 : vector<8x128xf32> to vector<8x128xbf16>
    %convert_element_type3A_261 = arith.extf %convert_element_type3A_260 : vector<8x128xbf16> to vector<8x128xf32>
    %mul3A_262 = vector.broadcast %convert_element_type3A_2 : f32 to vector<8x128xf32>
    %mul3A_263 = arith.mulf %mul3A_262, %convert_element_type3A_261 : vector<8x128xf32>
    %convert_element_type3A_264 = arith.truncf %sub3A_186 : vector<8x128xf32> to vector<8x128xbf16>
    %convert_element_type3A_265 = arith.extf %convert_element_type3A_264 : vector<8x128xbf16> to vector<8x128xf32>
    %mul3A_266 = vector.broadcast %convert_element_type3A_7 : f32 to vector<8x128xf32>
    %mul3A_267 = arith.mulf %mul3A_266, %convert_element_type3A_265 : vector<8x128xf32>
    %add3A_268 = arith.addf %mul3A_263, %mul3A_267 : vector<8x128xf32>
    %convert_element_type3A_269 = arith.truncf %sub3A_216 : vector<8x128xf32> to vector<8x128xbf16>
    %convert_element_type3A_270 = arith.extf %convert_element_type3A_269 : vector<8x128xbf16> to vector<8x128xf32>
    %mul3A_271 = vector.broadcast %convert_element_type3A_12 : f32 to vector<8x128xf32>
    %mul3A_272 = arith.mulf %mul3A_271, %convert_element_type3A_270 : vector<8x128xf32>
    %add3A_273 = arith.addf %add3A_268, %mul3A_272 : vector<8x128xf32>
    %convert_element_type3A_274 = arith.truncf %sub3A_138 : vector<8x128xf32> to vector<8x128xbf16>
    %convert_element_type3A_275 = arith.extf %convert_element_type3A_274 : vector<8x128xbf16> to vector<8x128xf32>
    %mul3A_276 = vector.broadcast %convert_element_type3A_22 : f32 to vector<8x128xf32>
    %mul3A_277 = arith.mulf %mul3A_276, %convert_element_type3A_275 : vector<8x128xf32>
    %convert_element_type3A_278 = arith.truncf %add3A_165 : vector<8x128xf32> to vector<8x128xbf16>
    %convert_element_type3A_279 = arith.extf %convert_element_type3A_278 : vector<8x128xbf16> to vector<8x128xf32>
    %mul3A_280 = vector.broadcast %convert_element_type3A_27 : f32 to vector<8x128xf32>
    %mul3A_281 = arith.mulf %mul3A_280, %convert_element_type3A_279 : vector<8x128xf32>
    %add3A_282 = arith.addf %mul3A_277, %mul3A_281 : vector<8x128xf32>
    %convert_element_type3A_283 = arith.truncf %sub3A_195 : vector<8x128xf32> to vector<8x128xbf16>
    %convert_element_type3A_284 = arith.extf %convert_element_type3A_283 : vector<8x128xbf16> to vector<8x128xf32>
    %mul3A_285 = vector.broadcast %convert_element_type3A_32 : f32 to vector<8x128xf32>
    %mul3A_286 = arith.mulf %mul3A_285, %convert_element_type3A_284 : vector<8x128xf32>
    %add3A_287 = arith.addf %add3A_282, %mul3A_286 : vector<8x128xf32>
    %convert_element_type3A_288 = arith.truncf %sub3A_147 : vector<8x128xf32> to vector<8x128xbf16>
    %convert_element_type3A_289 = arith.extf %convert_element_type3A_288 : vector<8x128xbf16> to vector<8x128xf32>
    %mul3A_290 = vector.broadcast %convert_element_type3A_22 : f32 to vector<8x128xf32>
    %mul3A_291 = arith.mulf %mul3A_290, %convert_element_type3A_289 : vector<8x128xf32>
    %convert_element_type3A_292 = arith.truncf %sub3A_177 : vector<8x128xf32> to vector<8x128xbf16>
    %convert_element_type3A_293 = arith.extf %convert_element_type3A_292 : vector<8x128xbf16> to vector<8x128xf32>
    %mul3A_294 = vector.broadcast %convert_element_type3A_27 : f32 to vector<8x128xf32>
    %mul3A_295 = arith.mulf %mul3A_294, %convert_element_type3A_293 : vector<8x128xf32>
    %add3A_296 = arith.addf %mul3A_291, %mul3A_295 : vector<8x128xf32>
    %convert_element_type3A_297 = arith.truncf %add3A_204 : vector<8x128xf32> to vector<8x128xbf16>
    %convert_element_type3A_298 = arith.extf %convert_element_type3A_297 : vector<8x128xbf16> to vector<8x128xf32>
    %mul3A_299 = vector.broadcast %convert_element_type3A_32 : f32 to vector<8x128xf32>
    %mul3A_300 = arith.mulf %mul3A_299, %convert_element_type3A_298 : vector<8x128xf32>
    %add3A_301 = arith.addf %add3A_296, %mul3A_300 : vector<8x128xf32>
    %convert_element_type3A_302 = arith.truncf %add3A_156 : vector<8x128xf32> to vector<8x128xbf16>
    %convert_element_type3A_303 = arith.extf %convert_element_type3A_302 : vector<8x128xbf16> to vector<8x128xf32>
    %mul3A_304 = vector.broadcast %convert_element_type3A_22 : f32 to vector<8x128xf32>
    %mul3A_305 = arith.mulf %mul3A_304, %convert_element_type3A_303 : vector<8x128xf32>
    %convert_element_type3A_306 = arith.truncf %sub3A_186 : vector<8x128xf32> to vector<8x128xbf16>
    %convert_element_type3A_307 = arith.extf %convert_element_type3A_306 : vector<8x128xbf16> to vector<8x128xf32>
    %mul3A_308 = vector.broadcast %convert_element_type3A_27 : f32 to vector<8x128xf32>
    %mul3A_309 = arith.mulf %mul3A_308, %convert_element_type3A_307 : vector<8x128xf32>
    %add3A_310 = arith.addf %mul3A_305, %mul3A_309 : vector<8x128xf32>
    %convert_element_type3A_311 = arith.truncf %sub3A_216 : vector<8x128xf32> to vector<8x128xbf16>
    %convert_element_type3A_312 = arith.extf %convert_element_type3A_311 : vector<8x128xbf16> to vector<8x128xf32>
    %mul3A_313 = vector.broadcast %convert_element_type3A_32 : f32 to vector<8x128xf32>
    %mul3A_314 = arith.mulf %mul3A_313, %convert_element_type3A_312 : vector<8x128xf32>
    %add3A_315 = arith.addf %add3A_310, %mul3A_314 : vector<8x128xf32>
    %convert_element_type3A_316 = arith.truncf %sub3A_138 : vector<8x128xf32> to vector<8x128xbf16>
    %convert_element_type3A_317 = arith.extf %convert_element_type3A_316 : vector<8x128xbf16> to vector<8x128xf32>
    %mul3A_318 = vector.broadcast %convert_element_type3A_42 : f32 to vector<8x128xf32>
    %mul3A_319 = arith.mulf %mul3A_318, %convert_element_type3A_317 : vector<8x128xf32>
    %convert_element_type3A_320 = arith.truncf %add3A_165 : vector<8x128xf32> to vector<8x128xbf16>
    %convert_element_type3A_321 = arith.extf %convert_element_type3A_320 : vector<8x128xbf16> to vector<8x128xf32>
    %mul3A_322 = vector.broadcast %convert_element_type3A_47 : f32 to vector<8x128xf32>
    %mul3A_323 = arith.mulf %mul3A_322, %convert_element_type3A_321 : vector<8x128xf32>
    %add3A_324 = arith.addf %mul3A_319, %mul3A_323 : vector<8x128xf32>
    %convert_element_type3A_325 = arith.truncf %sub3A_195 : vector<8x128xf32> to vector<8x128xbf16>
    %convert_element_type3A_326 = arith.extf %convert_element_type3A_325 : vector<8x128xbf16> to vector<8x128xf32>
    %mul3A_327 = vector.broadcast %convert_element_type3A_52 : f32 to vector<8x128xf32>
    %mul3A_328 = arith.mulf %mul3A_327, %convert_element_type3A_326 : vector<8x128xf32>
    %add3A_329 = arith.addf %add3A_324, %mul3A_328 : vector<8x128xf32>
    %convert_element_type3A_330 = arith.truncf %sub3A_147 : vector<8x128xf32> to vector<8x128xbf16>
    %convert_element_type3A_331 = arith.extf %convert_element_type3A_330 : vector<8x128xbf16> to vector<8x128xf32>
    %mul3A_332 = vector.broadcast %convert_element_type3A_42 : f32 to vector<8x128xf32>
    %mul3A_333 = arith.mulf %mul3A_332, %convert_element_type3A_331 : vector<8x128xf32>
    %convert_element_type3A_334 = arith.truncf %sub3A_177 : vector<8x128xf32> to vector<8x128xbf16>
    %convert_element_type3A_335 = arith.extf %convert_element_type3A_334 : vector<8x128xbf16> to vector<8x128xf32>
    %mul3A_336 = vector.broadcast %convert_element_type3A_47 : f32 to vector<8x128xf32>
    %mul3A_337 = arith.mulf %mul3A_336, %convert_element_type3A_335 : vector<8x128xf32>
    %add3A_338 = arith.addf %mul3A_333, %mul3A_337 : vector<8x128xf32>
    %convert_element_type3A_339 = arith.truncf %add3A_204 : vector<8x128xf32> to vector<8x128xbf16>
    %convert_element_type3A_340 = arith.extf %convert_element_type3A_339 : vector<8x128xbf16> to vector<8x128xf32>
    %mul3A_341 = vector.broadcast %convert_element_type3A_52 : f32 to vector<8x128xf32>
    %mul3A_342 = arith.mulf %mul3A_341, %convert_element_type3A_340 : vector<8x128xf32>
    %add3A_343 = arith.addf %add3A_338, %mul3A_342 : vector<8x128xf32>
    %convert_element_type3A_344 = arith.truncf %add3A_156 : vector<8x128xf32> to vector<8x128xbf16>
    %convert_element_type3A_345 = arith.extf %convert_element_type3A_344 : vector<8x128xbf16> to vector<8x128xf32>
    %mul3A_346 = vector.broadcast %convert_element_type3A_42 : f32 to vector<8x128xf32>
    %mul3A_347 = arith.mulf %mul3A_346, %convert_element_type3A_345 : vector<8x128xf32>
    %convert_element_type3A_348 = arith.truncf %sub3A_186 : vector<8x128xf32> to vector<8x128xbf16>
    %convert_element_type3A_349 = arith.extf %convert_element_type3A_348 : vector<8x128xbf16> to vector<8x128xf32>
    %mul3A_350 = vector.broadcast %convert_element_type3A_47 : f32 to vector<8x128xf32>
    %mul3A_351 = arith.mulf %mul3A_350, %convert_element_type3A_349 : vector<8x128xf32>
    %add3A_352 = arith.addf %mul3A_347, %mul3A_351 : vector<8x128xf32>
    %convert_element_type3A_353 = arith.truncf %sub3A_216 : vector<8x128xf32> to vector<8x128xbf16>
    %convert_element_type3A_354 = arith.extf %convert_element_type3A_353 : vector<8x128xbf16> to vector<8x128xf32>
    %mul3A_355 = vector.broadcast %convert_element_type3A_52 : f32 to vector<8x128xf32>
    %mul3A_356 = arith.mulf %mul3A_355, %convert_element_type3A_354 : vector<8x128xf32>
    %add3A_357 = arith.addf %add3A_352, %mul3A_356 : vector<8x128xf32>
    %convert_element_type3A_358 = arith.truncf %add3A_245 : vector<8x128xf32> to vector<8x128xbf16>
    %convert_element_type3A_359 = arith.extf %convert_element_type3A_358 : vector<8x128xbf16> to vector<8x128xf32>
    %mul3A_360 = arith.mulf %convert_element_type3A_359, %convert_element_type3A_221 : vector<8x128xf32>
    %convert_element_type3A_361 = arith.truncf %add3A_259 : vector<8x128xf32> to vector<8x128xbf16>
    %convert_element_type3A_362 = arith.extf %convert_element_type3A_361 : vector<8x128xbf16> to vector<8x128xf32>
    %mul3A_363 = arith.mulf %convert_element_type3A_362, %convert_element_type3A_226 : vector<8x128xf32>
    %convert_element_type3A_364 = arith.truncf %add3A_273 : vector<8x128xf32> to vector<8x128xbf16>
    %convert_element_type3A_365 = arith.extf %convert_element_type3A_364 : vector<8x128xbf16> to vector<8x128xf32>
    %mul3A_366 = arith.mulf %convert_element_type3A_365, %convert_element_type3A_231 : vector<8x128xf32>
    %convert_element_type3A_367 = arith.truncf %add3A_287 : vector<8x128xf32> to vector<8x128xbf16>
    %convert_element_type3A_368 = arith.extf %convert_element_type3A_367 : vector<8x128xbf16> to vector<8x128xf32>
    %mul3A_369 = arith.mulf %convert_element_type3A_368, %convert_element_type3A_221 : vector<8x128xf32>
    %convert_element_type3A_370 = arith.truncf %add3A_301 : vector<8x128xf32> to vector<8x128xbf16>
    %convert_element_type3A_371 = arith.extf %convert_element_type3A_370 : vector<8x128xbf16> to vector<8x128xf32>
    %mul3A_372 = arith.mulf %convert_element_type3A_371, %convert_element_type3A_226 : vector<8x128xf32>
    %convert_element_type3A_373 = arith.truncf %add3A_315 : vector<8x128xf32> to vector<8x128xbf16>
    %convert_element_type3A_374 = arith.extf %convert_element_type3A_373 : vector<8x128xbf16> to vector<8x128xf32>
    %mul3A_375 = arith.mulf %convert_element_type3A_374, %convert_element_type3A_231 : vector<8x128xf32>
    %convert_element_type3A_376 = arith.truncf %add3A_329 : vector<8x128xf32> to vector<8x128xbf16>
    %convert_element_type3A_377 = arith.extf %convert_element_type3A_376 : vector<8x128xbf16> to vector<8x128xf32>
    %mul3A_378 = arith.mulf %convert_element_type3A_377, %convert_element_type3A_221 : vector<8x128xf32>
    %convert_element_type3A_379 = arith.truncf %add3A_343 : vector<8x128xf32> to vector<8x128xbf16>
    %convert_element_type3A_380 = arith.extf %convert_element_type3A_379 : vector<8x128xbf16> to vector<8x128xf32>
    %mul3A_381 = arith.mulf %convert_element_type3A_380, %convert_element_type3A_226 : vector<8x128xf32>
    %convert_element_type3A_382 = arith.truncf %add3A_357 : vector<8x128xf32> to vector<8x128xbf16>
    %convert_element_type3A_383 = arith.extf %convert_element_type3A_382 : vector<8x128xbf16> to vector<8x128xf32>
    %mul3A_384 = arith.mulf %convert_element_type3A_383, %convert_element_type3A_231 : vector<8x128xf32>
    %convert_element_type3A_385 = arith.truncf %mul3A_360 : vector<8x128xf32> to vector<8x128xbf16>
    %convert_element_type3A_386 = arith.extf %convert_element_type3A_385 : vector<8x128xbf16> to vector<8x128xf32>
    %convert_element_type3A_387 = arith.truncf %mul3A_363 : vector<8x128xf32> to vector<8x128xbf16>
    %convert_element_type3A_388 = arith.extf %convert_element_type3A_387 : vector<8x128xbf16> to vector<8x128xf32>
    %convert_element_type3A_389 = arith.truncf %mul3A_366 : vector<8x128xf32> to vector<8x128xbf16>
    %convert_element_type3A_390 = arith.extf %convert_element_type3A_389 : vector<8x128xbf16> to vector<8x128xf32>
    %convert_element_type3A_391 = arith.truncf %mul3A_369 : vector<8x128xf32> to vector<8x128xbf16>
    %convert_element_type3A_392 = arith.extf %convert_element_type3A_391 : vector<8x128xbf16> to vector<8x128xf32>
    %convert_element_type3A_393 = arith.truncf %mul3A_372 : vector<8x128xf32> to vector<8x128xbf16>
    %convert_element_type3A_394 = arith.extf %convert_element_type3A_393 : vector<8x128xbf16> to vector<8x128xf32>
    %convert_element_type3A_395 = arith.truncf %mul3A_375 : vector<8x128xf32> to vector<8x128xbf16>
    %convert_element_type3A_396 = arith.extf %convert_element_type3A_395 : vector<8x128xbf16> to vector<8x128xf32>
    %convert_element_type3A_397 = arith.truncf %mul3A_378 : vector<8x128xf32> to vector<8x128xbf16>
    %convert_element_type3A_398 = arith.extf %convert_element_type3A_397 : vector<8x128xbf16> to vector<8x128xf32>
    %convert_element_type3A_399 = arith.truncf %mul3A_381 : vector<8x128xf32> to vector<8x128xbf16>
    %convert_element_type3A_400 = arith.extf %convert_element_type3A_399 : vector<8x128xbf16> to vector<8x128xf32>
    %convert_element_type3A_401 = arith.truncf %mul3A_384 : vector<8x128xf32> to vector<8x128xbf16>
    %convert_element_type3A_402 = arith.extf %convert_element_type3A_401 : vector<8x128xbf16> to vector<8x128xf32>
    %mul3A_403 = arith.mulf %convert_element_type3A_386, %convert_element_type3A_386 : vector<8x128xf32>
    %mul3A_404 = arith.mulf %convert_element_type3A_388, %convert_element_type3A_388 : vector<8x128xf32>
    %add3A_405 = arith.addf %mul3A_403, %mul3A_404 : vector<8x128xf32>
    %mul3A_406 = arith.mulf %convert_element_type3A_390, %convert_element_type3A_390 : vector<8x128xf32>
    %add3A_407 = arith.addf %add3A_405, %mul3A_406 : vector<8x128xf32>
    %mul3A_408 = arith.mulf %convert_element_type3A_386, %convert_element_type3A_392 : vector<8x128xf32>
    %mul3A_409 = arith.mulf %convert_element_type3A_388, %convert_element_type3A_394 : vector<8x128xf32>
    %add3A_410 = arith.addf %mul3A_408, %mul3A_409 : vector<8x128xf32>
    %mul3A_411 = arith.mulf %convert_element_type3A_390, %convert_element_type3A_396 : vector<8x128xf32>
    %add3A_412 = arith.addf %add3A_410, %mul3A_411 : vector<8x128xf32>
    %mul3A_413 = arith.mulf %convert_element_type3A_386, %convert_element_type3A_398 : vector<8x128xf32>
    %mul3A_414 = arith.mulf %convert_element_type3A_388, %convert_element_type3A_400 : vector<8x128xf32>
    %add3A_415 = arith.addf %mul3A_413, %mul3A_414 : vector<8x128xf32>
    %mul3A_416 = arith.mulf %convert_element_type3A_390, %convert_element_type3A_402 : vector<8x128xf32>
    %add3A_417 = arith.addf %add3A_415, %mul3A_416 : vector<8x128xf32>
    %mul3A_418 = arith.mulf %convert_element_type3A_392, %convert_element_type3A_386 : vector<8x128xf32>
    %mul3A_419 = arith.mulf %convert_element_type3A_394, %convert_element_type3A_388 : vector<8x128xf32>
    %add3A_420 = arith.addf %mul3A_418, %mul3A_419 : vector<8x128xf32>
    %mul3A_421 = arith.mulf %convert_element_type3A_396, %convert_element_type3A_390 : vector<8x128xf32>
    %add3A_422 = arith.addf %add3A_420, %mul3A_421 : vector<8x128xf32>
    %mul3A_423 = arith.mulf %convert_element_type3A_392, %convert_element_type3A_392 : vector<8x128xf32>
    %mul3A_424 = arith.mulf %convert_element_type3A_394, %convert_element_type3A_394 : vector<8x128xf32>
    %add3A_425 = arith.addf %mul3A_423, %mul3A_424 : vector<8x128xf32>
    %mul3A_426 = arith.mulf %convert_element_type3A_396, %convert_element_type3A_396 : vector<8x128xf32>
    %add3A_427 = arith.addf %add3A_425, %mul3A_426 : vector<8x128xf32>
    %mul3A_428 = arith.mulf %convert_element_type3A_392, %convert_element_type3A_398 : vector<8x128xf32>
    %mul3A_429 = arith.mulf %convert_element_type3A_394, %convert_element_type3A_400 : vector<8x128xf32>
    %add3A_430 = arith.addf %mul3A_428, %mul3A_429 : vector<8x128xf32>
    %mul3A_431 = arith.mulf %convert_element_type3A_396, %convert_element_type3A_402 : vector<8x128xf32>
    %add3A_432 = arith.addf %add3A_430, %mul3A_431 : vector<8x128xf32>
    %mul3A_433 = arith.mulf %convert_element_type3A_398, %convert_element_type3A_386 : vector<8x128xf32>
    %mul3A_434 = arith.mulf %convert_element_type3A_400, %convert_element_type3A_388 : vector<8x128xf32>
    %add3A_435 = arith.addf %mul3A_433, %mul3A_434 : vector<8x128xf32>
    %mul3A_436 = arith.mulf %convert_element_type3A_402, %convert_element_type3A_390 : vector<8x128xf32>
    %add3A_437 = arith.addf %add3A_435, %mul3A_436 : vector<8x128xf32>
    %mul3A_438 = arith.mulf %convert_element_type3A_398, %convert_element_type3A_392 : vector<8x128xf32>
    %mul3A_439 = arith.mulf %convert_element_type3A_400, %convert_element_type3A_394 : vector<8x128xf32>
    %add3A_440 = arith.addf %mul3A_438, %mul3A_439 : vector<8x128xf32>
    %mul3A_441 = arith.mulf %convert_element_type3A_402, %convert_element_type3A_396 : vector<8x128xf32>
    %add3A_442 = arith.addf %add3A_440, %mul3A_441 : vector<8x128xf32>
    %mul3A_443 = arith.mulf %convert_element_type3A_398, %convert_element_type3A_398 : vector<8x128xf32>
    %mul3A_444 = arith.mulf %convert_element_type3A_400, %convert_element_type3A_400 : vector<8x128xf32>
    %add3A_445 = arith.addf %mul3A_443, %mul3A_444 : vector<8x128xf32>
    %mul3A_446 = arith.mulf %convert_element_type3A_402, %convert_element_type3A_402 : vector<8x128xf32>
    %add3A_447 = arith.addf %add3A_445, %mul3A_446 : vector<8x128xf32>
    %abs3A = math.absf %add3A_100 : vector<8x128xf32>
    %max3A = arith.constant 0.00999999977 : f32
    %max3A_448 = vector.broadcast %max3A : f32 to vector<8x128xf32>
    %max3A_449 = arith.maximumf %abs3A, %max3A_448 : vector<8x128xf32>
    %add3A_450 = arith.constant 9.99999993E-9 : f32
    %add3A_451 = vector.broadcast %add3A_450 : f32 to vector<8x128xf32>
    %add3A_452 = arith.addf %add3A_100, %add3A_451 : vector<8x128xf32>
    %sign3A = tpu.bitcast %add3A_452 : vector<8x128xf32> -> vector<8x128xi32>
    %sign3A_453 = arith.constant -2147483648 : i32
    %sign3A_454 = vector.broadcast %sign3A_453 : i32 to vector<8x128xi32>
    %sign3A_455 = arith.andi %sign3A, %sign3A_454 : vector<8x128xi32>
    %sign3A_456 = arith.constant 1065353216 : i32
    %sign3A_457 = vector.broadcast %sign3A_456 : i32 to vector<8x128xi32>
    %sign3A_458 = arith.ori %sign3A_457, %sign3A_455 : vector<8x128xi32>
    %sign3A_459 = tpu.bitcast %sign3A_458 : vector<8x128xi32> -> vector<8x128xf32>
    %sign3A_460 = math.absf %add3A_452 : vector<8x128xf32>
    %sign3A_461 = arith.constant 0.000000e+00 : f32
    %sign3A_462 = vector.broadcast %sign3A_461 : f32 to vector<8x128xf32>
    %sign3A_463 = arith.cmpf ogt, %sign3A_460, %sign3A_462 : vector<8x128xf32>
    %sign3A_464 = arith.select %sign3A_463, %sign3A_459, %add3A_452 : vector<8x128xi1>, vector<8x128xf32>
    %mul3A_465 = arith.mulf %max3A_449, %sign3A_464 : vector<8x128xf32>
    %mul3A_466 = arith.mulf %mul3A_465, %mul3A_465 : vector<8x128xf32>
    %neg3A_467 = arith.constant 0.000000e+00 : f32
    %neg3A_468 = vector.broadcast %neg3A_467 : f32 to vector<8x128xf32>
    %neg3A_469 = arith.subf %neg3A_468, %mul3A_465 : vector<8x128xf32>
    %div3A_470 = arith.constant 1.109000e+02 : f32
    %div3A_471 = vector.broadcast %div3A_470 : f32 to vector<8x128xf32>
    %div3A_472 = arith.divf %div3A_471, %neg3A_469 : vector<8x128xf32>
    %mul3A_473 = arith.constant 1.109000e+02 : f32
    %mul3A_474 = vector.broadcast %mul3A_473 : f32 to vector<8x128xf32>
    %mul3A_475 = arith.mulf %mul3A_474, %add3A_80 : vector<8x128xf32>
    %div3A_476 = arith.divf %mul3A_475, %mul3A_466 : vector<8x128xf32>
    %div3A_477 = arith.constant 1.109000e+02 : f32
    %div3A_478 = vector.broadcast %div3A_477 : f32 to vector<8x128xf32>
    %div3A_479 = arith.divf %div3A_478, %mul3A_465 : vector<8x128xf32>
    %mul3A_480 = arith.constant 1.109000e+02 : f32
    %mul3A_481 = vector.broadcast %mul3A_480 : f32 to vector<8x128xf32>
    %mul3A_482 = arith.mulf %mul3A_481, %add3A_90 : vector<8x128xf32>
    %div3A_483 = arith.divf %mul3A_482, %mul3A_466 : vector<8x128xf32>
    %convert_element_type3A_484 = arith.truncf %div3A_472 : vector<8x128xf32> to vector<8x128xbf16>
    %convert_element_type3A_485 = arith.extf %convert_element_type3A_484 : vector<8x128xbf16> to vector<8x128xf32>
    %convert_element_type3A_486 = arith.truncf %div3A_476 : vector<8x128xf32> to vector<8x128xbf16>
    %convert_element_type3A_487 = arith.extf %convert_element_type3A_486 : vector<8x128xbf16> to vector<8x128xf32>
    %convert_element_type3A_488 = arith.truncf %div3A_479 : vector<8x128xf32> to vector<8x128xbf16>
    %convert_element_type3A_489 = arith.extf %convert_element_type3A_488 : vector<8x128xbf16> to vector<8x128xf32>
    %convert_element_type3A_490 = arith.truncf %div3A_483 : vector<8x128xf32> to vector<8x128xbf16>
    %convert_element_type3A_491 = arith.extf %convert_element_type3A_490 : vector<8x128xbf16> to vector<8x128xf32>
    %convert_element_type3A_492 = arith.truncf %add3A_407 : vector<8x128xf32> to vector<8x128xbf16>
    %convert_element_type3A_493 = arith.extf %convert_element_type3A_492 : vector<8x128xbf16> to vector<8x128xf32>
    %convert_element_type3A_494 = arith.truncf %add3A_412 : vector<8x128xf32> to vector<8x128xbf16>
    %convert_element_type3A_495 = arith.extf %convert_element_type3A_494 : vector<8x128xbf16> to vector<8x128xf32>
    %convert_element_type3A_496 = arith.truncf %add3A_417 : vector<8x128xf32> to vector<8x128xbf16>
    %convert_element_type3A_497 = arith.extf %convert_element_type3A_496 : vector<8x128xbf16> to vector<8x128xf32>
    %convert_element_type3A_498 = arith.truncf %add3A_422 : vector<8x128xf32> to vector<8x128xbf16>
    %convert_element_type3A_499 = arith.extf %convert_element_type3A_498 : vector<8x128xbf16> to vector<8x128xf32>
    %convert_element_type3A_500 = arith.truncf %add3A_427 : vector<8x128xf32> to vector<8x128xbf16>
    %convert_element_type3A_501 = arith.extf %convert_element_type3A_500 : vector<8x128xbf16> to vector<8x128xf32>
    %convert_element_type3A_502 = arith.truncf %add3A_432 : vector<8x128xf32> to vector<8x128xbf16>
    %convert_element_type3A_503 = arith.extf %convert_element_type3A_502 : vector<8x128xbf16> to vector<8x128xf32>
    %convert_element_type3A_504 = arith.truncf %add3A_437 : vector<8x128xf32> to vector<8x128xbf16>
    %convert_element_type3A_505 = arith.extf %convert_element_type3A_504 : vector<8x128xbf16> to vector<8x128xf32>
    %convert_element_type3A_506 = arith.truncf %add3A_442 : vector<8x128xf32> to vector<8x128xbf16>
    %convert_element_type3A_507 = arith.extf %convert_element_type3A_506 : vector<8x128xbf16> to vector<8x128xf32>
    %convert_element_type3A_508 = arith.truncf %add3A_447 : vector<8x128xf32> to vector<8x128xbf16>
    %convert_element_type3A_509 = arith.extf %convert_element_type3A_508 : vector<8x128xbf16> to vector<8x128xf32>
    %mul3A_510 = arith.mulf %convert_element_type3A_485, %convert_element_type3A_493 : vector<8x128xf32>
    %mul3A_511 = arith.mulf %convert_element_type3A_487, %convert_element_type3A_505 : vector<8x128xf32>
    %add3A_512 = arith.addf %mul3A_510, %mul3A_511 : vector<8x128xf32>
    %mul3A_513 = arith.mulf %convert_element_type3A_485, %convert_element_type3A_495 : vector<8x128xf32>
    %mul3A_514 = arith.mulf %convert_element_type3A_487, %convert_element_type3A_507 : vector<8x128xf32>
    %add3A_515 = arith.addf %mul3A_513, %mul3A_514 : vector<8x128xf32>
    %mul3A_516 = arith.mulf %convert_element_type3A_485, %convert_element_type3A_497 : vector<8x128xf32>
    %mul3A_517 = arith.mulf %convert_element_type3A_487, %convert_element_type3A_509 : vector<8x128xf32>
    %add3A_518 = arith.addf %mul3A_516, %mul3A_517 : vector<8x128xf32>
    %mul3A_519 = arith.mulf %convert_element_type3A_489, %convert_element_type3A_499 : vector<8x128xf32>
    %mul3A_520 = arith.mulf %convert_element_type3A_491, %convert_element_type3A_505 : vector<8x128xf32>
    %add3A_521 = arith.addf %mul3A_519, %mul3A_520 : vector<8x128xf32>
    %mul3A_522 = arith.mulf %convert_element_type3A_489, %convert_element_type3A_501 : vector<8x128xf32>
    %mul3A_523 = arith.mulf %convert_element_type3A_491, %convert_element_type3A_507 : vector<8x128xf32>
    %add3A_524 = arith.addf %mul3A_522, %mul3A_523 : vector<8x128xf32>
    %mul3A_525 = arith.mulf %convert_element_type3A_489, %convert_element_type3A_503 : vector<8x128xf32>
    %mul3A_526 = arith.mulf %convert_element_type3A_491, %convert_element_type3A_509 : vector<8x128xf32>
    %add3A_527 = arith.addf %mul3A_525, %mul3A_526 : vector<8x128xf32>
    %convert_element_type3A_528 = arith.truncf %add3A_512 : vector<8x128xf32> to vector<8x128xbf16>
    %convert_element_type3A_529 = arith.extf %convert_element_type3A_528 : vector<8x128xbf16> to vector<8x128xf32>
    %mul3A_530 = arith.mulf %convert_element_type3A_529, %convert_element_type3A_485 : vector<8x128xf32>
    %convert_element_type3A_531 = arith.truncf %add3A_518 : vector<8x128xf32> to vector<8x128xbf16>
    %convert_element_type3A_532 = arith.extf %convert_element_type3A_531 : vector<8x128xbf16> to vector<8x128xf32>
    %mul3A_533 = arith.mulf %convert_element_type3A_532, %convert_element_type3A_487 : vector<8x128xf32>
    %add3A_534 = arith.addf %mul3A_530, %mul3A_533 : vector<8x128xf32>
    %convert_element_type3A_535 = arith.truncf %add3A_515 : vector<8x128xf32> to vector<8x128xbf16>
    %convert_element_type3A_536 = arith.extf %convert_element_type3A_535 : vector<8x128xbf16> to vector<8x128xf32>
    %mul3A_537 = arith.mulf %convert_element_type3A_536, %convert_element_type3A_489 : vector<8x128xf32>
    %convert_element_type3A_538 = arith.truncf %add3A_518 : vector<8x128xf32> to vector<8x128xbf16>
    %convert_element_type3A_539 = arith.extf %convert_element_type3A_538 : vector<8x128xbf16> to vector<8x128xf32>
    %mul3A_540 = arith.mulf %convert_element_type3A_539, %convert_element_type3A_491 : vector<8x128xf32>
    %add3A_541 = arith.addf %mul3A_537, %mul3A_540 : vector<8x128xf32>
    %convert_element_type3A_542 = arith.truncf %add3A_521 : vector<8x128xf32> to vector<8x128xbf16>
    %convert_element_type3A_543 = arith.extf %convert_element_type3A_542 : vector<8x128xbf16> to vector<8x128xf32>
    %mul3A_544 = arith.mulf %convert_element_type3A_543, %convert_element_type3A_485 : vector<8x128xf32>
    %convert_element_type3A_545 = arith.truncf %add3A_527 : vector<8x128xf32> to vector<8x128xbf16>
    %convert_element_type3A_546 = arith.extf %convert_element_type3A_545 : vector<8x128xbf16> to vector<8x128xf32>
    %mul3A_547 = arith.mulf %convert_element_type3A_546, %convert_element_type3A_487 : vector<8x128xf32>
    %add3A_548 = arith.addf %mul3A_544, %mul3A_547 : vector<8x128xf32>
    %convert_element_type3A_549 = arith.truncf %add3A_524 : vector<8x128xf32> to vector<8x128xbf16>
    %convert_element_type3A_550 = arith.extf %convert_element_type3A_549 : vector<8x128xbf16> to vector<8x128xf32>
    %mul3A_551 = arith.mulf %convert_element_type3A_550, %convert_element_type3A_489 : vector<8x128xf32>
    %convert_element_type3A_552 = arith.truncf %add3A_527 : vector<8x128xf32> to vector<8x128xbf16>
    %convert_element_type3A_553 = arith.extf %convert_element_type3A_552 : vector<8x128xbf16> to vector<8x128xf32>
    %mul3A_554 = arith.mulf %convert_element_type3A_553, %convert_element_type3A_491 : vector<8x128xf32>
    %add3A_555 = arith.addf %mul3A_551, %mul3A_554 : vector<8x128xf32>
    %mul3A_556 = arith.constant 1.109000e+02 : f32
    %mul3A_557 = vector.broadcast %mul3A_556 : f32 to vector<8x128xf32>
    %mul3A_558 = arith.mulf %mul3A_557, %add3A_80 : vector<8x128xf32>
    %neg3A_559 = arith.constant 0.000000e+00 : f32
    %neg3A_560 = vector.broadcast %neg3A_559 : f32 to vector<8x128xf32>
    %neg3A_561 = arith.subf %neg3A_560, %mul3A_465 : vector<8x128xf32>
    %div3A_562 = arith.divf %mul3A_558, %neg3A_561 : vector<8x128xf32>
    %add3A_563 = arith.constant 6.400000e+01 : f32
    %add3A_564 = vector.broadcast %add3A_563 : f32 to vector<8x128xf32>
    %add3A_565 = arith.addf %div3A_562, %add3A_564 : vector<8x128xf32>
    %neg3A_566 = arith.constant 0.000000e+00 : f32
    %neg3A_567 = vector.broadcast %neg3A_566 : f32 to vector<8x128xf32>
    %neg3A_568 = arith.subf %neg3A_567, %add3A_90 : vector<8x128xf32>
    %mul3A_569 = arith.constant 1.109000e+02 : f32
    %mul3A_570 = vector.broadcast %mul3A_569 : f32 to vector<8x128xf32>
    %mul3A_571 = arith.mulf %mul3A_570, %neg3A_568 : vector<8x128xf32>
    %neg3A_572 = arith.constant 0.000000e+00 : f32
    %neg3A_573 = vector.broadcast %neg3A_572 : f32 to vector<8x128xf32>
    %neg3A_574 = arith.subf %neg3A_573, %mul3A_465 : vector<8x128xf32>
    %div3A_575 = arith.divf %mul3A_571, %neg3A_574 : vector<8x128xf32>
    %add3A_576 = arith.constant 6.400000e+01 : f32
    %add3A_577 = vector.broadcast %add3A_576 : f32 to vector<8x128xf32>
    %add3A_578 = arith.addf %div3A_575, %add3A_577 : vector<8x128xf32>
    %add3A_579 = arith.addf %add3A_534, %add3A_555 : vector<8x128xf32>
    %mul3A_580 = arith.mulf %add3A_534, %add3A_555 : vector<8x128xf32>
    %mul3A_581 = arith.mulf %add3A_541, %add3A_548 : vector<8x128xf32>
    %sub3A_582 = arith.subf %mul3A_580, %mul3A_581 : vector<8x128xf32>
    %max3A_583 = arith.constant 9.99999997E-7 : f32
    %max3A_584 = vector.broadcast %max3A_583 : f32 to vector<8x128xf32>
    %max3A_585 = arith.maximumf %sub3A_582, %max3A_584 : vector<8x128xf32>
    %mul3A_586 = arith.mulf %add3A_579, %add3A_579 : vector<8x128xf32>
    %mul3A_587 = arith.constant 4.000000e+00 : f32
    %mul3A_588 = vector.broadcast %mul3A_587 : f32 to vector<8x128xf32>
    %mul3A_589 = arith.mulf %mul3A_588, %max3A_585 : vector<8x128xf32>
    %sub3A_590 = arith.subf %mul3A_586, %mul3A_589 : vector<8x128xf32>
    %max3A_591 = arith.constant 0.000000e+00 : f32
    %max3A_592 = vector.broadcast %max3A_591 : f32 to vector<8x128xf32>
    %max3A_593 = arith.maximumf %sub3A_590, %max3A_592 : vector<8x128xf32>
    %sqrt3A_594 = math.sqrt %max3A_593 : vector<8x128xf32>
    %add3A_595 = arith.addf %add3A_579, %sqrt3A_594 : vector<8x128xf32>
    %div3A_596 = arith.constant 2.000000e+00 : f32
    %div3A_597 = vector.broadcast %div3A_596 : f32 to vector<8x128xf32>
    %div3A_598 = arith.divf %add3A_595, %div3A_597 : vector<8x128xf32>
    %max3A_599 = arith.constant 9.99999997E-7 : f32
    %max3A_600 = vector.broadcast %max3A_599 : f32 to vector<8x128xf32>
    %max3A_601 = arith.maximumf %div3A_598, %max3A_600 : vector<8x128xf32>
    %sqrt3A_602 = math.sqrt %max3A_601 : vector<8x128xf32>
    %mul3A_603 = arith.constant 3.000000e+00 : f32
    %mul3A_604 = vector.broadcast %mul3A_603 : f32 to vector<8x128xf32>
    %mul3A_605 = arith.mulf %mul3A_604, %sqrt3A_602 : vector<8x128xf32>
    %min3A = arith.constant 3.200000e+01 : f32
    %min3A_606 = vector.broadcast %min3A : f32 to vector<8x128xf32>
    %min3A_607 = arith.minimumf %mul3A_605, %min3A_606 : vector<8x128xf32>
    %gt3A = arith.constant 0.00999999977 : f32
    %gt3A_608 = vector.broadcast %gt3A : f32 to vector<8x128xf32>
    %gt3A_609 = arith.cmpf ogt, %neg3A_102, %gt3A_608 : vector<8x128xf32>
    %lt3A = arith.constant 1.000000e+02 : f32
    %lt3A_610 = vector.broadcast %lt3A : f32 to vector<8x128xf32>
    %lt3A_611 = arith.cmpf olt, %neg3A_102, %lt3A_610 : vector<8x128xf32>
    %and3A = arith.andi %gt3A_609, %lt3A_611 : vector<8x128xi1>
    %add3A_612 = arith.addf %add3A_565, %min3A_607 : vector<8x128xf32>
    %gt3A_613 = arith.constant 0.000000e+00 : f32
    %gt3A_614 = vector.broadcast %gt3A_613 : f32 to vector<8x128xf32>
    %gt3A_615 = arith.cmpf ogt, %add3A_612, %gt3A_614 : vector<8x128xf32>
    %and3A_616 = arith.andi %and3A, %gt3A_615 : vector<8x128xi1>
    %sub3A_617 = arith.subf %add3A_565, %min3A_607 : vector<8x128xf32>
    %lt3A_618 = arith.constant 1.280000e+02 : f32
    %lt3A_619 = vector.broadcast %lt3A_618 : f32 to vector<8x128xf32>
    %lt3A_620 = arith.cmpf olt, %sub3A_617, %lt3A_619 : vector<8x128xf32>
    %and3A_621 = arith.andi %and3A_616, %lt3A_620 : vector<8x128xi1>
    %add3A_622 = arith.addf %add3A_578, %min3A_607 : vector<8x128xf32>
    %gt3A_623 = arith.constant 0.000000e+00 : f32
    %gt3A_624 = vector.broadcast %gt3A_623 : f32 to vector<8x128xf32>
    %gt3A_625 = arith.cmpf ogt, %add3A_622, %gt3A_624 : vector<8x128xf32>
    %and3A_626 = arith.andi %and3A_621, %gt3A_625 : vector<8x128xi1>
    %sub3A_627 = arith.subf %add3A_578, %min3A_607 : vector<8x128xf32>
    %lt3A_628 = arith.constant 1.280000e+02 : f32
    %lt3A_629 = vector.broadcast %lt3A_628 : f32 to vector<8x128xf32>
    %lt3A_630 = arith.cmpf olt, %sub3A_627, %lt3A_629 : vector<8x128xf32>
    %and3A_631 = arith.andi %and3A_626, %lt3A_630 : vector<8x128xi1>
    %add3A_632 = arith.constant 3.000000e-01 : f32
    %add3A_633 = vector.broadcast %add3A_632 : f32 to vector<8x128xf32>
    %add3A_634 = arith.addf %add3A_534, %add3A_633 : vector<8x128xf32>
    %add3A_635 = arith.constant 3.000000e-01 : f32
    %add3A_636 = vector.broadcast %add3A_635 : f32 to vector<8x128xf32>
    %add3A_637 = arith.addf %add3A_555, %add3A_636 : vector<8x128xf32>
    %mul3A_638 = arith.mulf %add3A_634, %add3A_637 : vector<8x128xf32>
    %mul3A_639 = arith.mulf %add3A_541, %add3A_541 : vector<8x128xf32>
    %sub3A_640 = arith.subf %mul3A_638, %mul3A_639 : vector<8x128xf32>
    %max3A_641 = arith.constant 9.99999997E-7 : f32
    %max3A_642 = vector.broadcast %max3A_641 : f32 to vector<8x128xf32>
    %max3A_643 = arith.maximumf %sub3A_640, %max3A_642 : vector<8x128xf32>
    %div3A_644 = arith.divf %add3A_637, %max3A_643 : vector<8x128xf32>
    %div3A_645 = arith.divf %add3A_634, %max3A_643 : vector<8x128xf32>
    %neg3A_646 = arith.constant 0.000000e+00 : f32
    %neg3A_647 = vector.broadcast %neg3A_646 : f32 to vector<8x128xf32>
    %neg3A_648 = arith.subf %neg3A_647, %add3A_541 : vector<8x128xf32>
    %div3A_649 = arith.divf %neg3A_648, %max3A_643 : vector<8x128xf32>
    %get3A_650 = arith.constant 0 : index
    %get3A_651 = arith.constant 0 : index
    %get3A_652 = vector.load %arg11[%get3A_650, %get3A_651] : memref<8x128xf32, #tpu.memory_space<vmem>>, vector<8x128xf32>
    %convert_element_type3A_653 = arith.extui %and3A_631 : vector<8x128xi1> to vector<8x128xi32>
    %convert_element_type3A_654 = arith.sitofp %convert_element_type3A_653 : vector<8x128xi32> to vector<8x128xf32>
    %mul3A_655 = arith.mulf %get3A_652, %convert_element_type3A_654 : vector<8x128xf32>
    %swap3A = arith.constant 0 : index
    %swap3A_656 = arith.constant 0 : index
    %swap3A_657 = arith.constant 0 : index
    %swap3A_658 = vector.load %arg12[%swap3A, %swap3A_656, %swap3A_657] : memref<8x8x128xf32, #tpu.memory_space<vmem>>, vector<1x8x128xf32>
    %swap3A_659 = vector.shape_cast %swap3A_658 : vector<1x8x128xf32> to vector<8x128xf32>
    %swap3A_660 = vector.shape_cast %neg3A_102 : vector<8x128xf32> to vector<1x8x128xf32>
    tpu.vector_store %arg12[%swap3A, %swap3A_656, %swap3A_657], %swap3A_660 {strides = array<i32>} : memref<8x8x128xf32, #tpu.memory_space<vmem>>, vector<1x8x128xf32>,
    %swap3A_661 = arith.constant 1 : index
    %swap3A_662 = arith.constant 0 : index
    %swap3A_663 = arith.constant 0 : index
    %swap3A_664 = vector.load %arg12[%swap3A_661, %swap3A_662, %swap3A_663] : memref<8x8x128xf32, #tpu.memory_space<vmem>>, vector<1x8x128xf32>
    %swap3A_665 = vector.shape_cast %swap3A_664 : vector<1x8x128xf32> to vector<8x128xf32>
    %swap3A_666 = vector.shape_cast %add3A_565 : vector<8x128xf32> to vector<1x8x128xf32>
    tpu.vector_store %arg12[%swap3A_661, %swap3A_662, %swap3A_663], %swap3A_666 {strides = array<i32>} : memref<8x8x128xf32, #tpu.memory_space<vmem>>, vector<1x8x128xf32>,
    %swap3A_667 = arith.constant 2 : index
    %swap3A_668 = arith.constant 0 : index
    %swap3A_669 = arith.constant 0 : index
    %swap3A_670 = vector.load %arg12[%swap3A_667, %swap3A_668, %swap3A_669] : memref<8x8x128xf32, #tpu.memory_space<vmem>>, vector<1x8x128xf32>
    %swap3A_671 = vector.shape_cast %swap3A_670 : vector<1x8x128xf32> to vector<8x128xf32>
    %swap3A_672 = vector.shape_cast %add3A_578 : vector<8x128xf32> to vector<1x8x128xf32>
    tpu.vector_store %arg12[%swap3A_667, %swap3A_668, %swap3A_669], %swap3A_672 {strides = array<i32>} : memref<8x8x128xf32, #tpu.memory_space<vmem>>, vector<1x8x128xf32>,
    %swap3A_673 = arith.constant 3 : index
    %swap3A_674 = arith.constant 0 : index
    %swap3A_675 = arith.constant 0 : index
    %swap3A_676 = vector.load %arg12[%swap3A_673, %swap3A_674, %swap3A_675] : memref<8x8x128xf32, #tpu.memory_space<vmem>>, vector<1x8x128xf32>
    %swap3A_677 = vector.shape_cast %swap3A_676 : vector<1x8x128xf32> to vector<8x128xf32>
    %swap3A_678 = vector.shape_cast %div3A_644 : vector<8x128xf32> to vector<1x8x128xf32>
    tpu.vector_store %arg12[%swap3A_673, %swap3A_674, %swap3A_675], %swap3A_678 {strides = array<i32>} : memref<8x8x128xf32, #tpu.memory_space<vmem>>, vector<1x8x128xf32>,
    %swap3A_679 = arith.constant 4 : index
    %swap3A_680 = arith.constant 0 : index
    %swap3A_681 = arith.constant 0 : index
    %swap3A_682 = vector.load %arg12[%swap3A_679, %swap3A_680, %swap3A_681] : memref<8x8x128xf32, #tpu.memory_space<vmem>>, vector<1x8x128xf32>
    %swap3A_683 = vector.shape_cast %swap3A_682 : vector<1x8x128xf32> to vector<8x128xf32>
    %swap3A_684 = vector.shape_cast %div3A_649 : vector<8x128xf32> to vector<1x8x128xf32>
    tpu.vector_store %arg12[%swap3A_679, %swap3A_680, %swap3A_681], %swap3A_684 {strides = array<i32>} : memref<8x8x128xf32, #tpu.memory_space<vmem>>, vector<1x8x128xf32>,
    %swap3A_685 = arith.constant 5 : index
    %swap3A_686 = arith.constant 0 : index
    %swap3A_687 = arith.constant 0 : index
    %swap3A_688 = vector.load %arg12[%swap3A_685, %swap3A_686, %swap3A_687] : memref<8x8x128xf32, #tpu.memory_space<vmem>>, vector<1x8x128xf32>
    %swap3A_689 = vector.shape_cast %swap3A_688 : vector<1x8x128xf32> to vector<8x128xf32>
    %swap3A_690 = vector.shape_cast %div3A_645 : vector<8x128xf32> to vector<1x8x128xf32>
    tpu.vector_store %arg12[%swap3A_685, %swap3A_686, %swap3A_687], %swap3A_690 {strides = array<i32>} : memref<8x8x128xf32, #tpu.memory_space<vmem>>, vector<1x8x128xf32>,
    %swap3A_691 = arith.constant 6 : index
    %swap3A_692 = arith.constant 0 : index
    %swap3A_693 = arith.constant 0 : index
    %swap3A_694 = vector.load %arg12[%swap3A_691, %swap3A_692, %swap3A_693] : memref<8x8x128xf32, #tpu.memory_space<vmem>>, vector<1x8x128xf32>
    %swap3A_695 = vector.shape_cast %swap3A_694 : vector<1x8x128xf32> to vector<8x128xf32>
    %swap3A_696 = vector.shape_cast %mul3A_655 : vector<8x128xf32> to vector<1x8x128xf32>
    tpu.vector_store %arg12[%swap3A_691, %swap3A_692, %swap3A_693], %swap3A_696 {strides = array<i32>} : memref<8x8x128xf32, #tpu.memory_space<vmem>>, vector<1x8x128xf32>,
    %swap3A_697 = arith.constant 7 : index
    %swap3A_698 = arith.constant 0 : index
    %swap3A_699 = arith.constant 0 : index
    %swap3A_700 = vector.load %arg12[%swap3A_697, %swap3A_698, %swap3A_699] : memref<8x8x128xf32, #tpu.memory_space<vmem>>, vector<1x8x128xf32>
    %swap3A_701 = vector.shape_cast %swap3A_700 : vector<1x8x128xf32> to vector<8x128xf32>
    %swap3A_702 = vector.shape_cast %min3A_607 : vector<8x128xf32> to vector<1x8x128xf32>
    tpu.vector_store %arg12[%swap3A_697, %swap3A_698, %swap3A_699], %swap3A_702 {strides = array<i32>} : memref<8x8x128xf32, #tpu.memory_space<vmem>>, vector<1x8x128xf32>,
    return
  }
}

module attributes {stable_mosaic.version = 14 : i64} {
  func.func @_rank_kernel(%arg0: memref<1024x1xf32, #tpu.memory_space<vmem>>, %arg1: memref<1x1024xf32, #tpu.memory_space<vmem>>, %arg2: memref<1024x1xf32, #tpu.memory_space<vmem>>, %arg3: memref<1x1024xf32, #tpu.memory_space<vmem>>, %arg4: memref<1x1024xf32, #tpu.memory_space<vmem>>) attributes {dimension_semantics = [], scalar_prefetch = 0 : i64, scratch_operands = 0 : i64, tpu.core_type = #tpu.core_type<tc>} {
    %get3A = arith.constant 0 : index
    %get3A_0 = arith.constant 0 : index
    %get3A_1 = vector.load %arg0[%get3A, %get3A_0] : memref<1024x1xf32, #tpu.memory_space<vmem>>, vector<1024x1xf32>
    %get3A_2 = arith.constant 0 : index
    %get3A_3 = arith.constant 0 : index
    %get3A_4 = vector.load %arg1[%get3A_2, %get3A_3] : memref<1x1024xf32, #tpu.memory_space<vmem>>, vector<1x1024xf32>
    %get3A_5 = arith.constant 0 : index
    %get3A_6 = arith.constant 0 : index
    %get3A_7 = vector.load %arg2[%get3A_5, %get3A_6] : memref<1024x1xf32, #tpu.memory_space<vmem>>, vector<1024x1xf32>
    %get3A_8 = arith.constant 0 : index
    %get3A_9 = arith.constant 0 : index
    %get3A_10 = vector.load %arg3[%get3A_8, %get3A_9] : memref<1x1024xf32, #tpu.memory_space<vmem>>, vector<1x1024xf32>
    %lt3A = vector.broadcast %get3A_1 : vector<1024x1xf32> to vector<1024x1024xf32>
    %lt3A_11 = vector.broadcast %get3A_4 : vector<1x1024xf32> to vector<1024x1024xf32>
    %lt3A_12 = arith.cmpf olt, %lt3A, %lt3A_11 : vector<1024x1024xf32>
    %eq3A = vector.broadcast %get3A_1 : vector<1024x1xf32> to vector<1024x1024xf32>
    %eq3A_13 = vector.broadcast %get3A_4 : vector<1x1024xf32> to vector<1024x1024xf32>
    %eq3A_14 = arith.cmpf oeq, %eq3A, %eq3A_13 : vector<1024x1024xf32>
    %lt3A_15 = vector.broadcast %get3A_7 : vector<1024x1xf32> to vector<1024x1024xf32>
    %lt3A_16 = vector.broadcast %get3A_10 : vector<1x1024xf32> to vector<1024x1024xf32>
    %lt3A_17 = arith.cmpf olt, %lt3A_15, %lt3A_16 : vector<1024x1024xf32>
    %and3A = arith.andi %eq3A_14, %lt3A_17 : vector<1024x1024xi1>
    %or3A = arith.ori %lt3A_12, %and3A : vector<1024x1024xi1>
    %jit3A = arith.constant 1.000000e+00 : f32
    %jit3A_18 = arith.constant 0.000000e+00 : f32
    %broadcast_in_dim3A = vector.broadcast %jit3A : f32 to vector<1024x1024xf32>
    %broadcast_in_dim3A_19 = vector.broadcast %jit3A_18 : f32 to vector<1024x1024xf32>
    %select_n3A = arith.select %or3A, %broadcast_in_dim3A, %broadcast_in_dim3A_19 : vector<1024x1024xi1>, vector<1024x1024xf32>
    %reduce_sum3A = arith.constant dense<0.000000e+00> : vector<1024xf32>
    %reduce_sum3A_20 = vector.multi_reduction <add>, %select_n3A, %reduce_sum3A [0] : vector<1024x1024xf32> to vector<1024xf32>
    %broadcast_in_dim3A_21 = vector.shape_cast %reduce_sum3A_20 : vector<1024xf32> to vector<1x1024xf32>
    %swap3A = arith.constant 0 : index
    %swap3A_22 = arith.constant 0 : index
    %swap3A_23 = vector.load %arg4[%swap3A, %swap3A_22] : memref<1x1024xf32, #tpu.memory_space<vmem>>, vector<1x1024xf32>
    tpu.vector_store %arg4[%swap3A, %swap3A_22], %broadcast_in_dim3A_21 {strides = array<i32>} : memref<1x1024xf32, #tpu.memory_space<vmem>>, vector<1x1024xf32>,
    return
  }
}

module attributes {stable_mosaic.version = 14 : i64} {
  func.func @_raster_kernel(%arg0: memref<1024x16xf32, #tpu.memory_space<smem>>, %arg1: memref<3x128x128xf32, #tpu.memory_space<vmem>>, %arg2: memref<128x128xf32, #tpu.memory_space<vmem>>) attributes {dimension_semantics = [], scalar_prefetch = 0 : i64, scratch_operands = 1 : i64, tpu.core_type = #tpu.core_type<tc>} {
    %broadcast_in_dim3A = arith.constant 1.000000e+00 : f32
    %broadcast_in_dim3A_0 = vector.broadcast %broadcast_in_dim3A : f32 to vector<128x128xf32>
    %swap3A = arith.constant 0 : index
    %swap3A_1 = arith.constant 0 : index
    %swap3A_2 = vector.load %arg2[%swap3A, %swap3A_1] : memref<128x128xf32, #tpu.memory_space<vmem>>, vector<128x128xf32>
    tpu.vector_store %arg2[%swap3A, %swap3A_1], %broadcast_in_dim3A_0 {strides = array<i32>} : memref<128x128xf32, #tpu.memory_space<vmem>>, vector<128x128xf32>,
    %broadcast_in_dim3A_3 = arith.constant 0.000000e+00 : f32
    %broadcast_in_dim3A_4 = vector.broadcast %broadcast_in_dim3A_3 : f32 to vector<3x128x128xf32>
    %swap3A_5 = arith.constant 0 : index
    %swap3A_6 = arith.constant 0 : index
    %swap3A_7 = arith.constant 0 : index
    %swap3A_8 = vector.load %arg1[%swap3A_5, %swap3A_6, %swap3A_7] : memref<3x128x128xf32, #tpu.memory_space<vmem>>, vector<3x128x128xf32>
    tpu.vector_store %arg1[%swap3A_5, %swap3A_6, %swap3A_7], %broadcast_in_dim3A_4 {strides = array<i32>} : memref<3x128x128xf32, #tpu.memory_space<vmem>>, vector<3x128x128xf32>,
    %iota3A = tpu.iota {dimensions = array<i32: 1>} : vector<80x128xi32>
    %convert_element_type3A = arith.sitofp %iota3A : vector<80x128xi32> to vector<80x128xf32>
    %add3A = arith.constant 5.000000e-01 : f32
    %add3A_9 = vector.broadcast %add3A : f32 to vector<80x128xf32>
    %add3A_10 = arith.addf %convert_element_type3A, %add3A_9 : vector<80x128xf32>
    %scan3A = arith.constant 0 : i32
    %scan3A_11 = arith.constant 256 : i32
    %scan3A_12 = arith.addi %scan3A, %scan3A_11 : i32
    %scan3A_13 = arith.constant 1 : i32
    scf.for %scan3A_15 = %scan3A to %scan3A_12 step %scan3A_13  : i32 {
      %mul3A = arith.constant 4 : i32
      %mul3A_16 = arith.muli %mul3A, %scan3A_15 : i32
      %get3A = arith.index_cast %mul3A_16 : i32 to index
      %get3A_17 = arith.constant 0 : index
      %get3A_18 = memref.load %arg0[%get3A, %get3A_17] : memref<1024x16xf32, #tpu.memory_space<smem>>
      %get3A_19 = arith.index_cast %mul3A_16 : i32 to index
      %get3A_20 = arith.constant 1 : index
      %get3A_21 = memref.load %arg0[%get3A_19, %get3A_20] : memref<1024x16xf32, #tpu.memory_space<smem>>
      %get3A_22 = arith.index_cast %mul3A_16 : i32 to index
      %get3A_23 = arith.constant 2 : index
      %get3A_24 = memref.load %arg0[%get3A_22, %get3A_23] : memref<1024x16xf32, #tpu.memory_space<smem>>
      %get3A_25 = arith.index_cast %mul3A_16 : i32 to index
      %get3A_26 = arith.constant 3 : index
      %get3A_27 = memref.load %arg0[%get3A_25, %get3A_26] : memref<1024x16xf32, #tpu.memory_space<smem>>
      %get3A_28 = arith.index_cast %mul3A_16 : i32 to index
      %get3A_29 = arith.constant 4 : index
      %get3A_30 = memref.load %arg0[%get3A_28, %get3A_29] : memref<1024x16xf32, #tpu.memory_space<smem>>
      %get3A_31 = arith.index_cast %mul3A_16 : i32 to index
      %get3A_32 = arith.constant 5 : index
      %get3A_33 = memref.load %arg0[%get3A_31, %get3A_32] : memref<1024x16xf32, #tpu.memory_space<smem>>
      %get3A_34 = arith.index_cast %mul3A_16 : i32 to index
      %get3A_35 = arith.constant 6 : index
      %get3A_36 = memref.load %arg0[%get3A_34, %get3A_35] : memref<1024x16xf32, #tpu.memory_space<smem>>
      %mul3A_37 = arith.mulf %get3A_36, %get3A_36 : f32
      %sub3A = arith.subf %get3A_21, %get3A_36 : f32
      %floor3A = math.floor %sub3A : f32
      %convert_element_type3A_38 = arith.fptosi %floor3A : f32 to i32
      %sub3A_39 = arith.constant 1 : i32
      %sub3A_40 = arith.subi %convert_element_type3A_38, %sub3A_39 : i32
      %max3A = arith.constant 0 : i32
      %max3A_41 = arith.maxsi %sub3A_40, %max3A : i32
      %jit3A = arith.constant 8 : i32
      %div3A = arith.divsi %max3A_41, %jit3A : i32
      %sign3A = arith.constant 0 : i32
      %sign3A_42 = arith.cmpi sgt, %max3A_41, %sign3A : i32
      %sign3A_43 = arith.extui %sign3A_42 : i1 to i32
      %sign3A_44 = arith.constant 0 : i32
      %sign3A_45 = arith.cmpi slt, %max3A_41, %sign3A_44 : i32
      %sign3A_46 = arith.extui %sign3A_45 : i1 to i32
      %sign3A_47 = arith.subi %sign3A_43, %sign3A_46 : i32
      %sign3A_48 = arith.constant 0 : i32
      %sign3A_49 = arith.cmpi sgt, %jit3A, %sign3A_48 : i32
      %sign3A_50 = arith.extui %sign3A_49 : i1 to i32
      %sign3A_51 = arith.constant 0 : i32
      %sign3A_52 = arith.cmpi slt, %jit3A, %sign3A_51 : i32
      %sign3A_53 = arith.extui %sign3A_52 : i1 to i32
      %sign3A_54 = arith.subi %sign3A_50, %sign3A_53 : i32
      %ne3A = arith.cmpi ne, %sign3A_47, %sign3A_54 : i32
      %rem3A = arith.remsi %max3A_41, %jit3A : i32
      %ne3A_55 = arith.constant 0 : i32
      %ne3A_56 = arith.cmpi ne, %rem3A, %ne3A_55 : i32
      %and3A = arith.andi %ne3A, %ne3A_56 : i1
      %sub3A_57 = arith.constant 1 : i32
      %sub3A_58 = arith.subi %div3A, %sub3A_57 : i32
      %select_n3A = arith.select %and3A, %sub3A_58, %div3A : i32
      %mul3A_59 = arith.constant 8 : i32
      %mul3A_60 = arith.muli %select_n3A, %mul3A_59 : i32
      %jit3A_61 = arith.constant 0 : i32
      %jit3A_62 = arith.constant 48 : i32
      %max3A_63 = arith.maxsi %jit3A_61, %mul3A_60 : i32
      %min3A = arith.minsi %jit3A_62, %max3A_63 : i32
      %multiple_of3A = tpu.assume_multiple %min3A, 8 : i32
      %iota3A_64 = tpu.iota {dimensions = array<i32: 0>} : vector<80x128xi32>
      %add3A_65 = vector.broadcast %multiple_of3A : i32 to vector<80x128xi32>
      %add3A_66 = arith.addi %iota3A_64, %add3A_65 : vector<80x128xi32>
      %convert_element_type3A_67 = arith.sitofp %add3A_66 : vector<80x128xi32> to vector<80x128xf32>
      %add3A_68 = arith.constant 5.000000e-01 : f32
      %add3A_69 = vector.broadcast %add3A_68 : f32 to vector<80x128xf32>
      %add3A_70 = arith.addf %convert_element_type3A_67, %add3A_69 : vector<80x128xf32>
      %sub3A_71 = vector.broadcast %get3A_18 : f32 to vector<80x128xf32>
      %sub3A_72 = arith.subf %add3A_10, %sub3A_71 : vector<80x128xf32>
      %sub3A_73 = vector.broadcast %get3A_21 : f32 to vector<80x128xf32>
      %sub3A_74 = arith.subf %add3A_70, %sub3A_73 : vector<80x128xf32>
      %mul3A_75 = arith.mulf %sub3A_72, %sub3A_72 : vector<80x128xf32>
      %mul3A_76 = arith.mulf %sub3A_74, %sub3A_74 : vector<80x128xf32>
      %mul3A_77 = vector.broadcast %get3A_24 : f32 to vector<80x128xf32>
      %mul3A_78 = arith.mulf %mul3A_77, %mul3A_75 : vector<80x128xf32>
      %mul3A_79 = vector.broadcast %get3A_30 : f32 to vector<80x128xf32>
      %mul3A_80 = arith.mulf %mul3A_79, %mul3A_76 : vector<80x128xf32>
      %add3A_81 = arith.addf %mul3A_78, %mul3A_80 : vector<80x128xf32>
      %mul3A_82 = arith.constant -5.000000e-01 : f32
      %mul3A_83 = vector.broadcast %mul3A_82 : f32 to vector<80x128xf32>
      %mul3A_84 = arith.mulf %mul3A_83, %add3A_81 : vector<80x128xf32>
      %mul3A_85 = arith.mulf %sub3A_72, %sub3A_74 : vector<80x128xf32>
      %mul3A_86 = vector.broadcast %get3A_27 : f32 to vector<80x128xf32>
      %mul3A_87 = arith.mulf %mul3A_86, %mul3A_85 : vector<80x128xf32>
      %sub3A_88 = arith.subf %mul3A_84, %mul3A_87 : vector<80x128xf32>
      %min3A_89 = arith.constant 0.000000e+00 : f32
      %min3A_90 = vector.broadcast %min3A_89 : f32 to vector<80x128xf32>
      %min3A_91 = arith.minimumf %sub3A_88, %min3A_90 : vector<80x128xf32>
      %exp3A = math.exp %min3A_91 : vector<80x128xf32>
      %add3A_92 = arith.addf %mul3A_75, %mul3A_76 : vector<80x128xf32>
      %le3A = vector.broadcast %mul3A_37 : f32 to vector<80x128xf32>
      %le3A_93 = arith.cmpf ole, %add3A_92, %le3A : vector<80x128xf32>
      %mul3A_94 = vector.broadcast %get3A_33 : f32 to vector<80x128xf32>
      %mul3A_95 = arith.mulf %mul3A_94, %exp3A : vector<80x128xf32>
      %jit3A_96 = arith.constant 0.000000e+00 : f32
      %broadcast_in_dim3A_97 = vector.broadcast %jit3A_96 : f32 to vector<80x128xf32>
      %select_n3A_98 = arith.select %le3A_93, %mul3A_95, %broadcast_in_dim3A_97 : vector<80x128xi1>, vector<80x128xf32>
      %min3A_99 = arith.constant 9.900000e-01 : f32
      %min3A_100 = vector.broadcast %min3A_99 : f32 to vector<80x128xf32>
      %min3A_101 = arith.minimumf %select_n3A_98, %min3A_100 : vector<80x128xf32>
      %add3A_102 = arith.constant 1 : i32
      %add3A_103 = arith.addi %mul3A_16, %add3A_102 : i32
      %get3A_104 = arith.index_cast %add3A_103 : i32 to index
      %get3A_105 = arith.constant 0 : index
      %get3A_106 = memref.load %arg0[%get3A_104, %get3A_105] : memref<1024x16xf32, #tpu.memory_space<smem>>
      %get3A_107 = arith.index_cast %add3A_103 : i32 to index
      %get3A_108 = arith.constant 1 : index
      %get3A_109 = memref.load %arg0[%get3A_107, %get3A_108] : memref<1024x16xf32, #tpu.memory_space<smem>>
      %get3A_110 = arith.index_cast %add3A_103 : i32 to index
      %get3A_111 = arith.constant 2 : index
      %get3A_112 = memref.load %arg0[%get3A_110, %get3A_111] : memref<1024x16xf32, #tpu.memory_space<smem>>
      %get3A_113 = arith.index_cast %add3A_103 : i32 to index
      %get3A_114 = arith.constant 3 : index
      %get3A_115 = memref.load %arg0[%get3A_113, %get3A_114] : memref<1024x16xf32, #tpu.memory_space<smem>>
      %get3A_116 = arith.index_cast %add3A_103 : i32 to index
      %get3A_117 = arith.constant 4 : index
      %get3A_118 = memref.load %arg0[%get3A_116, %get3A_117] : memref<1024x16xf32, #tpu.memory_space<smem>>
      %get3A_119 = arith.index_cast %add3A_103 : i32 to index
      %get3A_120 = arith.constant 5 : index
      %get3A_121 = memref.load %arg0[%get3A_119, %get3A_120] : memref<1024x16xf32, #tpu.memory_space<smem>>
      %get3A_122 = arith.index_cast %add3A_103 : i32 to index
      %get3A_123 = arith.constant 6 : index
      %get3A_124 = memref.load %arg0[%get3A_122, %get3A_123] : memref<1024x16xf32, #tpu.memory_space<smem>>
      %mul3A_125 = arith.mulf %get3A_124, %get3A_124 : f32
      %sub3A_126 = arith.subf %get3A_109, %get3A_124 : f32
      %floor3A_127 = math.floor %sub3A_126 : f32
      %convert_element_type3A_128 = arith.fptosi %floor3A_127 : f32 to i32
      %sub3A_129 = arith.constant 1 : i32
      %sub3A_130 = arith.subi %convert_element_type3A_128, %sub3A_129 : i32
      %max3A_131 = arith.constant 0 : i32
      %max3A_132 = arith.maxsi %sub3A_130, %max3A_131 : i32
      %jit3A_133 = arith.constant 8 : i32
      %div3A_134 = arith.divsi %max3A_132, %jit3A_133 : i32
      %sign3A_135 = arith.constant 0 : i32
      %sign3A_136 = arith.cmpi sgt, %max3A_132, %sign3A_135 : i32
      %sign3A_137 = arith.extui %sign3A_136 : i1 to i32
      %sign3A_138 = arith.constant 0 : i32
      %sign3A_139 = arith.cmpi slt, %max3A_132, %sign3A_138 : i32
      %sign3A_140 = arith.extui %sign3A_139 : i1 to i32
      %sign3A_141 = arith.subi %sign3A_137, %sign3A_140 : i32
      %sign3A_142 = arith.constant 0 : i32
      %sign3A_143 = arith.cmpi sgt, %jit3A_133, %sign3A_142 : i32
      %sign3A_144 = arith.extui %sign3A_143 : i1 to i32
      %sign3A_145 = arith.constant 0 : i32
      %sign3A_146 = arith.cmpi slt, %jit3A_133, %sign3A_145 : i32
      %sign3A_147 = arith.extui %sign3A_146 : i1 to i32
      %sign3A_148 = arith.subi %sign3A_144, %sign3A_147 : i32
      %ne3A_149 = arith.cmpi ne, %sign3A_141, %sign3A_148 : i32
      %rem3A_150 = arith.remsi %max3A_132, %jit3A_133 : i32
      %ne3A_151 = arith.constant 0 : i32
      %ne3A_152 = arith.cmpi ne, %rem3A_150, %ne3A_151 : i32
      %and3A_153 = arith.andi %ne3A_149, %ne3A_152 : i1
      %sub3A_154 = arith.constant 1 : i32
      %sub3A_155 = arith.subi %div3A_134, %sub3A_154 : i32
      %select_n3A_156 = arith.select %and3A_153, %sub3A_155, %div3A_134 : i32
      %mul3A_157 = arith.constant 8 : i32
      %mul3A_158 = arith.muli %select_n3A_156, %mul3A_157 : i32
      %jit3A_159 = arith.constant 0 : i32
      %jit3A_160 = arith.constant 48 : i32
      %max3A_161 = arith.maxsi %jit3A_159, %mul3A_158 : i32
      %min3A_162 = arith.minsi %jit3A_160, %max3A_161 : i32
      %multiple_of3A_163 = tpu.assume_multiple %min3A_162, 8 : i32
      %iota3A_164 = tpu.iota {dimensions = array<i32: 0>} : vector<80x128xi32>
      %add3A_165 = vector.broadcast %multiple_of3A_163 : i32 to vector<80x128xi32>
      %add3A_166 = arith.addi %iota3A_164, %add3A_165 : vector<80x128xi32>
      %convert_element_type3A_167 = arith.sitofp %add3A_166 : vector<80x128xi32> to vector<80x128xf32>
      %add3A_168 = arith.constant 5.000000e-01 : f32
      %add3A_169 = vector.broadcast %add3A_168 : f32 to vector<80x128xf32>
      %add3A_170 = arith.addf %convert_element_type3A_167, %add3A_169 : vector<80x128xf32>
      %sub3A_171 = vector.broadcast %get3A_106 : f32 to vector<80x128xf32>
      %sub3A_172 = arith.subf %add3A_10, %sub3A_171 : vector<80x128xf32>
      %sub3A_173 = vector.broadcast %get3A_109 : f32 to vector<80x128xf32>
      %sub3A_174 = arith.subf %add3A_170, %sub3A_173 : vector<80x128xf32>
      %mul3A_175 = arith.mulf %sub3A_172, %sub3A_172 : vector<80x128xf32>
      %mul3A_176 = arith.mulf %sub3A_174, %sub3A_174 : vector<80x128xf32>
      %mul3A_177 = vector.broadcast %get3A_112 : f32 to vector<80x128xf32>
      %mul3A_178 = arith.mulf %mul3A_177, %mul3A_175 : vector<80x128xf32>
      %mul3A_179 = vector.broadcast %get3A_118 : f32 to vector<80x128xf32>
      %mul3A_180 = arith.mulf %mul3A_179, %mul3A_176 : vector<80x128xf32>
      %add3A_181 = arith.addf %mul3A_178, %mul3A_180 : vector<80x128xf32>
      %mul3A_182 = arith.constant -5.000000e-01 : f32
      %mul3A_183 = vector.broadcast %mul3A_182 : f32 to vector<80x128xf32>
      %mul3A_184 = arith.mulf %mul3A_183, %add3A_181 : vector<80x128xf32>
      %mul3A_185 = arith.mulf %sub3A_172, %sub3A_174 : vector<80x128xf32>
      %mul3A_186 = vector.broadcast %get3A_115 : f32 to vector<80x128xf32>
      %mul3A_187 = arith.mulf %mul3A_186, %mul3A_185 : vector<80x128xf32>
      %sub3A_188 = arith.subf %mul3A_184, %mul3A_187 : vector<80x128xf32>
      %min3A_189 = arith.constant 0.000000e+00 : f32
      %min3A_190 = vector.broadcast %min3A_189 : f32 to vector<80x128xf32>
      %min3A_191 = arith.minimumf %sub3A_188, %min3A_190 : vector<80x128xf32>
      %exp3A_192 = math.exp %min3A_191 : vector<80x128xf32>
      %add3A_193 = arith.addf %mul3A_175, %mul3A_176 : vector<80x128xf32>
      %le3A_194 = vector.broadcast %mul3A_125 : f32 to vector<80x128xf32>
      %le3A_195 = arith.cmpf ole, %add3A_193, %le3A_194 : vector<80x128xf32>
      %mul3A_196 = vector.broadcast %get3A_121 : f32 to vector<80x128xf32>
      %mul3A_197 = arith.mulf %mul3A_196, %exp3A_192 : vector<80x128xf32>
      %jit3A_198 = arith.constant 0.000000e+00 : f32
      %broadcast_in_dim3A_199 = vector.broadcast %jit3A_198 : f32 to vector<80x128xf32>
      %select_n3A_200 = arith.select %le3A_195, %mul3A_197, %broadcast_in_dim3A_199 : vector<80x128xi1>, vector<80x128xf32>
      %min3A_201 = arith.constant 9.900000e-01 : f32
      %min3A_202 = vector.broadcast %min3A_201 : f32 to vector<80x128xf32>
      %min3A_203 = arith.minimumf %select_n3A_200, %min3A_202 : vector<80x128xf32>
      %get3A_204 = arith.index_cast %mul3A_16 : i32 to index
      %get3A_205 = arith.constant 7 : index
      %get3A_206 = memref.load %arg0[%get3A_204, %get3A_205] : memref<1024x16xf32, #tpu.memory_space<smem>>
      %convert_element_type3A_207 = arith.truncf %get3A_206 : f32 to bf16
      %convert_element_type3A_208 = arith.extf %convert_element_type3A_207 : bf16 to f32
      %get3A_209 = arith.index_cast %mul3A_16 : i32 to index
      %get3A_210 = arith.constant 8 : index
      %get3A_211 = memref.load %arg0[%get3A_209, %get3A_210] : memref<1024x16xf32, #tpu.memory_space<smem>>
      %convert_element_type3A_212 = arith.truncf %get3A_211 : f32 to bf16
      %convert_element_type3A_213 = arith.extf %convert_element_type3A_212 : bf16 to f32
      %get3A_214 = arith.index_cast %mul3A_16 : i32 to index
      %get3A_215 = arith.constant 9 : index
      %get3A_216 = memref.load %arg0[%get3A_214, %get3A_215] : memref<1024x16xf32, #tpu.memory_space<smem>>
      %convert_element_type3A_217 = arith.truncf %get3A_216 : f32 to bf16
      %convert_element_type3A_218 = arith.extf %convert_element_type3A_217 : bf16 to f32
      %get3A_219 = arith.index_cast %multiple_of3A : i32 to index
      %get3A_220 = arith.constant 0 : index
      %get3A_221 = vector.load %arg2[%get3A_219, %get3A_220] : memref<128x128xf32, #tpu.memory_space<vmem>>, vector<80x128xf32>
      %mul3A_222 = arith.mulf %get3A_221, %min3A_101 : vector<80x128xf32>
      %convert_element_type3A_223 = arith.truncf %mul3A_222 : vector<80x128xf32> to vector<80x128xbf16>
      %convert_element_type3A_224 = arith.extf %convert_element_type3A_223 : vector<80x128xbf16> to vector<80x128xf32>
      %get3A_225 = arith.constant 0 : index
      %get3A_226 = arith.index_cast %multiple_of3A : i32 to index
      %get3A_227 = arith.constant 0 : index
      %get3A_228 = vector.load %arg1[%get3A_225, %get3A_226, %get3A_227] : memref<3x128x128xf32, #tpu.memory_space<vmem>>, vector<1x80x128xf32>
      %get3A_229 = vector.shape_cast %get3A_228 : vector<1x80x128xf32> to vector<80x128xf32>
      %mul3A_230 = vector.broadcast %convert_element_type3A_208 : f32 to vector<80x128xf32>
      %mul3A_231 = arith.mulf %convert_element_type3A_224, %mul3A_230 : vector<80x128xf32>
      %add3A_232 = arith.addf %get3A_229, %mul3A_231 : vector<80x128xf32>
      %swap3A_233 = arith.constant 0 : index
      %swap3A_234 = arith.index_cast %multiple_of3A : i32 to index
      %swap3A_235 = arith.constant 0 : index
      %swap3A_236 = vector.load %arg1[%swap3A_233, %swap3A_234, %swap3A_235] : memref<3x128x128xf32, #tpu.memory_space<vmem>>, vector<1x80x128xf32>
      %swap3A_237 = vector.shape_cast %swap3A_236 : vector<1x80x128xf32> to vector<80x128xf32>
      %swap3A_238 = vector.shape_cast %add3A_232 : vector<80x128xf32> to vector<1x80x128xf32>
      tpu.vector_store %arg1[%swap3A_233, %swap3A_234, %swap3A_235], %swap3A_238 {strides = array<i32>} : memref<3x128x128xf32, #tpu.memory_space<vmem>>, vector<1x80x128xf32>,
      %get3A_239 = arith.constant 1 : index
      %get3A_240 = arith.index_cast %multiple_of3A : i32 to index
      %get3A_241 = arith.constant 0 : index
      %get3A_242 = vector.load %arg1[%get3A_239, %get3A_240, %get3A_241] : memref<3x128x128xf32, #tpu.memory_space<vmem>>, vector<1x80x128xf32>
      %get3A_243 = vector.shape_cast %get3A_242 : vector<1x80x128xf32> to vector<80x128xf32>
      %mul3A_244 = vector.broadcast %convert_element_type3A_213 : f32 to vector<80x128xf32>
      %mul3A_245 = arith.mulf %convert_element_type3A_224, %mul3A_244 : vector<80x128xf32>
      %add3A_246 = arith.addf %get3A_243, %mul3A_245 : vector<80x128xf32>
      %swap3A_247 = arith.constant 1 : index
      %swap3A_248 = arith.index_cast %multiple_of3A : i32 to index
      %swap3A_249 = arith.constant 0 : index
      %swap3A_250 = vector.load %arg1[%swap3A_247, %swap3A_248, %swap3A_249] : memref<3x128x128xf32, #tpu.memory_space<vmem>>, vector<1x80x128xf32>
      %swap3A_251 = vector.shape_cast %swap3A_250 : vector<1x80x128xf32> to vector<80x128xf32>
      %swap3A_252 = vector.shape_cast %add3A_246 : vector<80x128xf32> to vector<1x80x128xf32>
      tpu.vector_store %arg1[%swap3A_247, %swap3A_248, %swap3A_249], %swap3A_252 {strides = array<i32>} : memref<3x128x128xf32, #tpu.memory_space<vmem>>, vector<1x80x128xf32>,
      %get3A_253 = arith.constant 2 : index
      %get3A_254 = arith.index_cast %multiple_of3A : i32 to index
      %get3A_255 = arith.constant 0 : index
      %get3A_256 = vector.load %arg1[%get3A_253, %get3A_254, %get3A_255] : memref<3x128x128xf32, #tpu.memory_space<vmem>>, vector<1x80x128xf32>
      %get3A_257 = vector.shape_cast %get3A_256 : vector<1x80x128xf32> to vector<80x128xf32>
      %mul3A_258 = vector.broadcast %convert_element_type3A_218 : f32 to vector<80x128xf32>
      %mul3A_259 = arith.mulf %convert_element_type3A_224, %mul3A_258 : vector<80x128xf32>
      %add3A_260 = arith.addf %get3A_257, %mul3A_259 : vector<80x128xf32>
      %swap3A_261 = arith.constant 2 : index
      %swap3A_262 = arith.index_cast %multiple_of3A : i32 to index
      %swap3A_263 = arith.constant 0 : index
      %swap3A_264 = vector.load %arg1[%swap3A_261, %swap3A_262, %swap3A_263] : memref<3x128x128xf32, #tpu.memory_space<vmem>>, vector<1x80x128xf32>
      %swap3A_265 = vector.shape_cast %swap3A_264 : vector<1x80x128xf32> to vector<80x128xf32>
      %swap3A_266 = vector.shape_cast %add3A_260 : vector<80x128xf32> to vector<1x80x128xf32>
      tpu.vector_store %arg1[%swap3A_261, %swap3A_262, %swap3A_263], %swap3A_266 {strides = array<i32>} : memref<3x128x128xf32, #tpu.memory_space<vmem>>, vector<1x80x128xf32>,
      %sub3A_267 = arith.constant 1.000000e+00 : f32
      %sub3A_268 = vector.broadcast %sub3A_267 : f32 to vector<80x128xf32>
      %sub3A_269 = arith.subf %sub3A_268, %min3A_101 : vector<80x128xf32>
      %mul3A_270 = arith.mulf %get3A_221, %sub3A_269 : vector<80x128xf32>
      %swap3A_271 = arith.index_cast %multiple_of3A : i32 to index
      %swap3A_272 = arith.constant 0 : index
      %swap3A_273 = vector.load %arg2[%swap3A_271, %swap3A_272] : memref<128x128xf32, #tpu.memory_space<vmem>>, vector<80x128xf32>
      tpu.vector_store %arg2[%swap3A_271, %swap3A_272], %mul3A_270 {strides = array<i32>} : memref<128x128xf32, #tpu.memory_space<vmem>>, vector<80x128xf32>,
      %add3A_274 = arith.constant 2 : i32
      %add3A_275 = arith.addi %mul3A_16, %add3A_274 : i32
      %get3A_276 = arith.index_cast %add3A_275 : i32 to index
      %get3A_277 = arith.constant 0 : index
      %get3A_278 = memref.load %arg0[%get3A_276, %get3A_277] : memref<1024x16xf32, #tpu.memory_space<smem>>
      %get3A_279 = arith.index_cast %add3A_275 : i32 to index
      %get3A_280 = arith.constant 1 : index
      %get3A_281 = memref.load %arg0[%get3A_279, %get3A_280] : memref<1024x16xf32, #tpu.memory_space<smem>>
      %get3A_282 = arith.index_cast %add3A_275 : i32 to index
      %get3A_283 = arith.constant 2 : index
      %get3A_284 = memref.load %arg0[%get3A_282, %get3A_283] : memref<1024x16xf32, #tpu.memory_space<smem>>
      %get3A_285 = arith.index_cast %add3A_275 : i32 to index
      %get3A_286 = arith.constant 3 : index
      %get3A_287 = memref.load %arg0[%get3A_285, %get3A_286] : memref<1024x16xf32, #tpu.memory_space<smem>>
      %get3A_288 = arith.index_cast %add3A_275 : i32 to index
      %get3A_289 = arith.constant 4 : index
      %get3A_290 = memref.load %arg0[%get3A_288, %get3A_289] : memref<1024x16xf32, #tpu.memory_space<smem>>
      %get3A_291 = arith.index_cast %add3A_275 : i32 to index
      %get3A_292 = arith.constant 5 : index
      %get3A_293 = memref.load %arg0[%get3A_291, %get3A_292] : memref<1024x16xf32, #tpu.memory_space<smem>>
      %get3A_294 = arith.index_cast %add3A_275 : i32 to index
      %get3A_295 = arith.constant 6 : index
      %get3A_296 = memref.load %arg0[%get3A_294, %get3A_295] : memref<1024x16xf32, #tpu.memory_space<smem>>
      %mul3A_297 = arith.mulf %get3A_296, %get3A_296 : f32
      %sub3A_298 = arith.subf %get3A_281, %get3A_296 : f32
      %floor3A_299 = math.floor %sub3A_298 : f32
      %convert_element_type3A_300 = arith.fptosi %floor3A_299 : f32 to i32
      %sub3A_301 = arith.constant 1 : i32
      %sub3A_302 = arith.subi %convert_element_type3A_300, %sub3A_301 : i32
      %max3A_303 = arith.constant 0 : i32
      %max3A_304 = arith.maxsi %sub3A_302, %max3A_303 : i32
      %jit3A_305 = arith.constant 8 : i32
      %div3A_306 = arith.divsi %max3A_304, %jit3A_305 : i32
      %sign3A_307 = arith.constant 0 : i32
      %sign3A_308 = arith.cmpi sgt, %max3A_304, %sign3A_307 : i32
      %sign3A_309 = arith.extui %sign3A_308 : i1 to i32
      %sign3A_310 = arith.constant 0 : i32
      %sign3A_311 = arith.cmpi slt, %max3A_304, %sign3A_310 : i32
      %sign3A_312 = arith.extui %sign3A_311 : i1 to i32
      %sign3A_313 = arith.subi %sign3A_309, %sign3A_312 : i32
      %sign3A_314 = arith.constant 0 : i32
      %sign3A_315 = arith.cmpi sgt, %jit3A_305, %sign3A_314 : i32
      %sign3A_316 = arith.extui %sign3A_315 : i1 to i32
      %sign3A_317 = arith.constant 0 : i32
      %sign3A_318 = arith.cmpi slt, %jit3A_305, %sign3A_317 : i32
      %sign3A_319 = arith.extui %sign3A_318 : i1 to i32
      %sign3A_320 = arith.subi %sign3A_316, %sign3A_319 : i32
      %ne3A_321 = arith.cmpi ne, %sign3A_313, %sign3A_320 : i32
      %rem3A_322 = arith.remsi %max3A_304, %jit3A_305 : i32
      %ne3A_323 = arith.constant 0 : i32
      %ne3A_324 = arith.cmpi ne, %rem3A_322, %ne3A_323 : i32
      %and3A_325 = arith.andi %ne3A_321, %ne3A_324 : i1
      %sub3A_326 = arith.constant 1 : i32
      %sub3A_327 = arith.subi %div3A_306, %sub3A_326 : i32
      %select_n3A_328 = arith.select %and3A_325, %sub3A_327, %div3A_306 : i32
      %mul3A_329 = arith.constant 8 : i32
      %mul3A_330 = arith.muli %select_n3A_328, %mul3A_329 : i32
      %jit3A_331 = arith.constant 0 : i32
      %jit3A_332 = arith.constant 48 : i32
      %max3A_333 = arith.maxsi %jit3A_331, %mul3A_330 : i32
      %min3A_334 = arith.minsi %jit3A_332, %max3A_333 : i32
      %multiple_of3A_335 = tpu.assume_multiple %min3A_334, 8 : i32
      %iota3A_336 = tpu.iota {dimensions = array<i32: 0>} : vector<80x128xi32>
      %add3A_337 = vector.broadcast %multiple_of3A_335 : i32 to vector<80x128xi32>
      %add3A_338 = arith.addi %iota3A_336, %add3A_337 : vector<80x128xi32>
      %convert_element_type3A_339 = arith.sitofp %add3A_338 : vector<80x128xi32> to vector<80x128xf32>
      %add3A_340 = arith.constant 5.000000e-01 : f32
      %add3A_341 = vector.broadcast %add3A_340 : f32 to vector<80x128xf32>
      %add3A_342 = arith.addf %convert_element_type3A_339, %add3A_341 : vector<80x128xf32>
      %sub3A_343 = vector.broadcast %get3A_278 : f32 to vector<80x128xf32>
      %sub3A_344 = arith.subf %add3A_10, %sub3A_343 : vector<80x128xf32>
      %sub3A_345 = vector.broadcast %get3A_281 : f32 to vector<80x128xf32>
      %sub3A_346 = arith.subf %add3A_342, %sub3A_345 : vector<80x128xf32>
      %mul3A_347 = arith.mulf %sub3A_344, %sub3A_344 : vector<80x128xf32>
      %mul3A_348 = arith.mulf %sub3A_346, %sub3A_346 : vector<80x128xf32>
      %mul3A_349 = vector.broadcast %get3A_284 : f32 to vector<80x128xf32>
      %mul3A_350 = arith.mulf %mul3A_349, %mul3A_347 : vector<80x128xf32>
      %mul3A_351 = vector.broadcast %get3A_290 : f32 to vector<80x128xf32>
      %mul3A_352 = arith.mulf %mul3A_351, %mul3A_348 : vector<80x128xf32>
      %add3A_353 = arith.addf %mul3A_350, %mul3A_352 : vector<80x128xf32>
      %mul3A_354 = arith.constant -5.000000e-01 : f32
      %mul3A_355 = vector.broadcast %mul3A_354 : f32 to vector<80x128xf32>
      %mul3A_356 = arith.mulf %mul3A_355, %add3A_353 : vector<80x128xf32>
      %mul3A_357 = arith.mulf %sub3A_344, %sub3A_346 : vector<80x128xf32>
      %mul3A_358 = vector.broadcast %get3A_287 : f32 to vector<80x128xf32>
      %mul3A_359 = arith.mulf %mul3A_358, %mul3A_357 : vector<80x128xf32>
      %sub3A_360 = arith.subf %mul3A_356, %mul3A_359 : vector<80x128xf32>
      %min3A_361 = arith.constant 0.000000e+00 : f32
      %min3A_362 = vector.broadcast %min3A_361 : f32 to vector<80x128xf32>
      %min3A_363 = arith.minimumf %sub3A_360, %min3A_362 : vector<80x128xf32>
      %exp3A_364 = math.exp %min3A_363 : vector<80x128xf32>
      %add3A_365 = arith.addf %mul3A_347, %mul3A_348 : vector<80x128xf32>
      %le3A_366 = vector.broadcast %mul3A_297 : f32 to vector<80x128xf32>
      %le3A_367 = arith.cmpf ole, %add3A_365, %le3A_366 : vector<80x128xf32>
      %mul3A_368 = vector.broadcast %get3A_293 : f32 to vector<80x128xf32>
      %mul3A_369 = arith.mulf %mul3A_368, %exp3A_364 : vector<80x128xf32>
      %jit3A_370 = arith.constant 0.000000e+00 : f32
      %broadcast_in_dim3A_371 = vector.broadcast %jit3A_370 : f32 to vector<80x128xf32>
      %select_n3A_372 = arith.select %le3A_367, %mul3A_369, %broadcast_in_dim3A_371 : vector<80x128xi1>, vector<80x128xf32>
      %min3A_373 = arith.constant 9.900000e-01 : f32
      %min3A_374 = vector.broadcast %min3A_373 : f32 to vector<80x128xf32>
      %min3A_375 = arith.minimumf %select_n3A_372, %min3A_374 : vector<80x128xf32>
      %add3A_376 = arith.constant 1 : i32
      %add3A_377 = arith.addi %mul3A_16, %add3A_376 : i32
      %get3A_378 = arith.index_cast %add3A_377 : i32 to index
      %get3A_379 = arith.constant 7 : index
      %get3A_380 = memref.load %arg0[%get3A_378, %get3A_379] : memref<1024x16xf32, #tpu.memory_space<smem>>
      %convert_element_type3A_381 = arith.truncf %get3A_380 : f32 to bf16
      %convert_element_type3A_382 = arith.extf %convert_element_type3A_381 : bf16 to f32
      %get3A_383 = arith.index_cast %add3A_377 : i32 to index
      %get3A_384 = arith.constant 8 : index
      %get3A_385 = memref.load %arg0[%get3A_383, %get3A_384] : memref<1024x16xf32, #tpu.memory_space<smem>>
      %convert_element_type3A_386 = arith.truncf %get3A_385 : f32 to bf16
      %convert_element_type3A_387 = arith.extf %convert_element_type3A_386 : bf16 to f32
      %get3A_388 = arith.index_cast %add3A_377 : i32 to index
      %get3A_389 = arith.constant 9 : index
      %get3A_390 = memref.load %arg0[%get3A_388, %get3A_389] : memref<1024x16xf32, #tpu.memory_space<smem>>
      %convert_element_type3A_391 = arith.truncf %get3A_390 : f32 to bf16
      %convert_element_type3A_392 = arith.extf %convert_element_type3A_391 : bf16 to f32
      %get3A_393 = arith.index_cast %multiple_of3A_163 : i32 to index
      %get3A_394 = arith.constant 0 : index
      %get3A_395 = vector.load %arg2[%get3A_393, %get3A_394] : memref<128x128xf32, #tpu.memory_space<vmem>>, vector<80x128xf32>
      %mul3A_396 = arith.mulf %get3A_395, %min3A_203 : vector<80x128xf32>
      %convert_element_type3A_397 = arith.truncf %mul3A_396 : vector<80x128xf32> to vector<80x128xbf16>
      %convert_element_type3A_398 = arith.extf %convert_element_type3A_397 : vector<80x128xbf16> to vector<80x128xf32>
      %get3A_399 = arith.constant 0 : index
      %get3A_400 = arith.index_cast %multiple_of3A_163 : i32 to index
      %get3A_401 = arith.constant 0 : index
      %get3A_402 = vector.load %arg1[%get3A_399, %get3A_400, %get3A_401] : memref<3x128x128xf32, #tpu.memory_space<vmem>>, vector<1x80x128xf32>
      %get3A_403 = vector.shape_cast %get3A_402 : vector<1x80x128xf32> to vector<80x128xf32>
      %mul3A_404 = vector.broadcast %convert_element_type3A_382 : f32 to vector<80x128xf32>
      %mul3A_405 = arith.mulf %convert_element_type3A_398, %mul3A_404 : vector<80x128xf32>
      %add3A_406 = arith.addf %get3A_403, %mul3A_405 : vector<80x128xf32>
      %swap3A_407 = arith.constant 0 : index
      %swap3A_408 = arith.index_cast %multiple_of3A_163 : i32 to index
      %swap3A_409 = arith.constant 0 : index
      %swap3A_410 = vector.load %arg1[%swap3A_407, %swap3A_408, %swap3A_409] : memref<3x128x128xf32, #tpu.memory_space<vmem>>, vector<1x80x128xf32>
      %swap3A_411 = vector.shape_cast %swap3A_410 : vector<1x80x128xf32> to vector<80x128xf32>
      %swap3A_412 = vector.shape_cast %add3A_406 : vector<80x128xf32> to vector<1x80x128xf32>
      tpu.vector_store %arg1[%swap3A_407, %swap3A_408, %swap3A_409], %swap3A_412 {strides = array<i32>} : memref<3x128x128xf32, #tpu.memory_space<vmem>>, vector<1x80x128xf32>,
      %get3A_413 = arith.constant 1 : index
      %get3A_414 = arith.index_cast %multiple_of3A_163 : i32 to index
      %get3A_415 = arith.constant 0 : index
      %get3A_416 = vector.load %arg1[%get3A_413, %get3A_414, %get3A_415] : memref<3x128x128xf32, #tpu.memory_space<vmem>>, vector<1x80x128xf32>
      %get3A_417 = vector.shape_cast %get3A_416 : vector<1x80x128xf32> to vector<80x128xf32>
      %mul3A_418 = vector.broadcast %convert_element_type3A_387 : f32 to vector<80x128xf32>
      %mul3A_419 = arith.mulf %convert_element_type3A_398, %mul3A_418 : vector<80x128xf32>
      %add3A_420 = arith.addf %get3A_417, %mul3A_419 : vector<80x128xf32>
      %swap3A_421 = arith.constant 1 : index
      %swap3A_422 = arith.index_cast %multiple_of3A_163 : i32 to index
      %swap3A_423 = arith.constant 0 : index
      %swap3A_424 = vector.load %arg1[%swap3A_421, %swap3A_422, %swap3A_423] : memref<3x128x128xf32, #tpu.memory_space<vmem>>, vector<1x80x128xf32>
      %swap3A_425 = vector.shape_cast %swap3A_424 : vector<1x80x128xf32> to vector<80x128xf32>
      %swap3A_426 = vector.shape_cast %add3A_420 : vector<80x128xf32> to vector<1x80x128xf32>
      tpu.vector_store %arg1[%swap3A_421, %swap3A_422, %swap3A_423], %swap3A_426 {strides = array<i32>} : memref<3x128x128xf32, #tpu.memory_space<vmem>>, vector<1x80x128xf32>,
      %get3A_427 = arith.constant 2 : index
      %get3A_428 = arith.index_cast %multiple_of3A_163 : i32 to index
      %get3A_429 = arith.constant 0 : index
      %get3A_430 = vector.load %arg1[%get3A_427, %get3A_428, %get3A_429] : memref<3x128x128xf32, #tpu.memory_space<vmem>>, vector<1x80x128xf32>
      %get3A_431 = vector.shape_cast %get3A_430 : vector<1x80x128xf32> to vector<80x128xf32>
      %mul3A_432 = vector.broadcast %convert_element_type3A_392 : f32 to vector<80x128xf32>
      %mul3A_433 = arith.mulf %convert_element_type3A_398, %mul3A_432 : vector<80x128xf32>
      %add3A_434 = arith.addf %get3A_431, %mul3A_433 : vector<80x128xf32>
      %swap3A_435 = arith.constant 2 : index
      %swap3A_436 = arith.index_cast %multiple_of3A_163 : i32 to index
      %swap3A_437 = arith.constant 0 : index
      %swap3A_438 = vector.load %arg1[%swap3A_435, %swap3A_436, %swap3A_437] : memref<3x128x128xf32, #tpu.memory_space<vmem>>, vector<1x80x128xf32>
      %swap3A_439 = vector.shape_cast %swap3A_438 : vector<1x80x128xf32> to vector<80x128xf32>
      %swap3A_440 = vector.shape_cast %add3A_434 : vector<80x128xf32> to vector<1x80x128xf32>
      tpu.vector_store %arg1[%swap3A_435, %swap3A_436, %swap3A_437], %swap3A_440 {strides = array<i32>} : memref<3x128x128xf32, #tpu.memory_space<vmem>>, vector<1x80x128xf32>,
      %sub3A_441 = arith.constant 1.000000e+00 : f32
      %sub3A_442 = vector.broadcast %sub3A_441 : f32 to vector<80x128xf32>
      %sub3A_443 = arith.subf %sub3A_442, %min3A_203 : vector<80x128xf32>
      %mul3A_444 = arith.mulf %get3A_395, %sub3A_443 : vector<80x128xf32>
      %swap3A_445 = arith.index_cast %multiple_of3A_163 : i32 to index
      %swap3A_446 = arith.constant 0 : index
      %swap3A_447 = vector.load %arg2[%swap3A_445, %swap3A_446] : memref<128x128xf32, #tpu.memory_space<vmem>>, vector<80x128xf32>
      tpu.vector_store %arg2[%swap3A_445, %swap3A_446], %mul3A_444 {strides = array<i32>} : memref<128x128xf32, #tpu.memory_space<vmem>>, vector<80x128xf32>,
      %add3A_448 = arith.constant 3 : i32
      %add3A_449 = arith.addi %mul3A_16, %add3A_448 : i32
      %get3A_450 = arith.index_cast %add3A_449 : i32 to index
      %get3A_451 = arith.constant 0 : index
      %get3A_452 = memref.load %arg0[%get3A_450, %get3A_451] : memref<1024x16xf32, #tpu.memory_space<smem>>
      %get3A_453 = arith.index_cast %add3A_449 : i32 to index
      %get3A_454 = arith.constant 1 : index
      %get3A_455 = memref.load %arg0[%get3A_453, %get3A_454] : memref<1024x16xf32, #tpu.memory_space<smem>>
      %get3A_456 = arith.index_cast %add3A_449 : i32 to index
      %get3A_457 = arith.constant 2 : index
      %get3A_458 = memref.load %arg0[%get3A_456, %get3A_457] : memref<1024x16xf32, #tpu.memory_space<smem>>
      %get3A_459 = arith.index_cast %add3A_449 : i32 to index
      %get3A_460 = arith.constant 3 : index
      %get3A_461 = memref.load %arg0[%get3A_459, %get3A_460] : memref<1024x16xf32, #tpu.memory_space<smem>>
      %get3A_462 = arith.index_cast %add3A_449 : i32 to index
      %get3A_463 = arith.constant 4 : index
      %get3A_464 = memref.load %arg0[%get3A_462, %get3A_463] : memref<1024x16xf32, #tpu.memory_space<smem>>
      %get3A_465 = arith.index_cast %add3A_449 : i32 to index
      %get3A_466 = arith.constant 5 : index
      %get3A_467 = memref.load %arg0[%get3A_465, %get3A_466] : memref<1024x16xf32, #tpu.memory_space<smem>>
      %get3A_468 = arith.index_cast %add3A_449 : i32 to index
      %get3A_469 = arith.constant 6 : index
      %get3A_470 = memref.load %arg0[%get3A_468, %get3A_469] : memref<1024x16xf32, #tpu.memory_space<smem>>
      %mul3A_471 = arith.mulf %get3A_470, %get3A_470 : f32
      %sub3A_472 = arith.subf %get3A_455, %get3A_470 : f32
      %floor3A_473 = math.floor %sub3A_472 : f32
      %convert_element_type3A_474 = arith.fptosi %floor3A_473 : f32 to i32
      %sub3A_475 = arith.constant 1 : i32
      %sub3A_476 = arith.subi %convert_element_type3A_474, %sub3A_475 : i32
      %max3A_477 = arith.constant 0 : i32
      %max3A_478 = arith.maxsi %sub3A_476, %max3A_477 : i32
      %jit3A_479 = arith.constant 8 : i32
      %div3A_480 = arith.divsi %max3A_478, %jit3A_479 : i32
      %sign3A_481 = arith.constant 0 : i32
      %sign3A_482 = arith.cmpi sgt, %max3A_478, %sign3A_481 : i32
      %sign3A_483 = arith.extui %sign3A_482 : i1 to i32
      %sign3A_484 = arith.constant 0 : i32
      %sign3A_485 = arith.cmpi slt, %max3A_478, %sign3A_484 : i32
      %sign3A_486 = arith.extui %sign3A_485 : i1 to i32
      %sign3A_487 = arith.subi %sign3A_483, %sign3A_486 : i32
      %sign3A_488 = arith.constant 0 : i32
      %sign3A_489 = arith.cmpi sgt, %jit3A_479, %sign3A_488 : i32
      %sign3A_490 = arith.extui %sign3A_489 : i1 to i32
      %sign3A_491 = arith.constant 0 : i32
      %sign3A_492 = arith.cmpi slt, %jit3A_479, %sign3A_491 : i32
      %sign3A_493 = arith.extui %sign3A_492 : i1 to i32
      %sign3A_494 = arith.subi %sign3A_490, %sign3A_493 : i32
      %ne3A_495 = arith.cmpi ne, %sign3A_487, %sign3A_494 : i32
      %rem3A_496 = arith.remsi %max3A_478, %jit3A_479 : i32
      %ne3A_497 = arith.constant 0 : i32
      %ne3A_498 = arith.cmpi ne, %rem3A_496, %ne3A_497 : i32
      %and3A_499 = arith.andi %ne3A_495, %ne3A_498 : i1
      %sub3A_500 = arith.constant 1 : i32
      %sub3A_501 = arith.subi %div3A_480, %sub3A_500 : i32
      %select_n3A_502 = arith.select %and3A_499, %sub3A_501, %div3A_480 : i32
      %mul3A_503 = arith.constant 8 : i32
      %mul3A_504 = arith.muli %select_n3A_502, %mul3A_503 : i32
      %jit3A_505 = arith.constant 0 : i32
      %jit3A_506 = arith.constant 48 : i32
      %max3A_507 = arith.maxsi %jit3A_505, %mul3A_504 : i32
      %min3A_508 = arith.minsi %jit3A_506, %max3A_507 : i32
      %multiple_of3A_509 = tpu.assume_multiple %min3A_508, 8 : i32
      %iota3A_510 = tpu.iota {dimensions = array<i32: 0>} : vector<80x128xi32>
      %add3A_511 = vector.broadcast %multiple_of3A_509 : i32 to vector<80x128xi32>
      %add3A_512 = arith.addi %iota3A_510, %add3A_511 : vector<80x128xi32>
      %convert_element_type3A_513 = arith.sitofp %add3A_512 : vector<80x128xi32> to vector<80x128xf32>
      %add3A_514 = arith.constant 5.000000e-01 : f32
      %add3A_515 = vector.broadcast %add3A_514 : f32 to vector<80x128xf32>
      %add3A_516 = arith.addf %convert_element_type3A_513, %add3A_515 : vector<80x128xf32>
      %sub3A_517 = vector.broadcast %get3A_452 : f32 to vector<80x128xf32>
      %sub3A_518 = arith.subf %add3A_10, %sub3A_517 : vector<80x128xf32>
      %sub3A_519 = vector.broadcast %get3A_455 : f32 to vector<80x128xf32>
      %sub3A_520 = arith.subf %add3A_516, %sub3A_519 : vector<80x128xf32>
      %mul3A_521 = arith.mulf %sub3A_518, %sub3A_518 : vector<80x128xf32>
      %mul3A_522 = arith.mulf %sub3A_520, %sub3A_520 : vector<80x128xf32>
      %mul3A_523 = vector.broadcast %get3A_458 : f32 to vector<80x128xf32>
      %mul3A_524 = arith.mulf %mul3A_523, %mul3A_521 : vector<80x128xf32>
      %mul3A_525 = vector.broadcast %get3A_464 : f32 to vector<80x128xf32>
      %mul3A_526 = arith.mulf %mul3A_525, %mul3A_522 : vector<80x128xf32>
      %add3A_527 = arith.addf %mul3A_524, %mul3A_526 : vector<80x128xf32>
      %mul3A_528 = arith.constant -5.000000e-01 : f32
      %mul3A_529 = vector.broadcast %mul3A_528 : f32 to vector<80x128xf32>
      %mul3A_530 = arith.mulf %mul3A_529, %add3A_527 : vector<80x128xf32>
      %mul3A_531 = arith.mulf %sub3A_518, %sub3A_520 : vector<80x128xf32>
      %mul3A_532 = vector.broadcast %get3A_461 : f32 to vector<80x128xf32>
      %mul3A_533 = arith.mulf %mul3A_532, %mul3A_531 : vector<80x128xf32>
      %sub3A_534 = arith.subf %mul3A_530, %mul3A_533 : vector<80x128xf32>
      %min3A_535 = arith.constant 0.000000e+00 : f32
      %min3A_536 = vector.broadcast %min3A_535 : f32 to vector<80x128xf32>
      %min3A_537 = arith.minimumf %sub3A_534, %min3A_536 : vector<80x128xf32>
      %exp3A_538 = math.exp %min3A_537 : vector<80x128xf32>
      %add3A_539 = arith.addf %mul3A_521, %mul3A_522 : vector<80x128xf32>
      %le3A_540 = vector.broadcast %mul3A_471 : f32 to vector<80x128xf32>
      %le3A_541 = arith.cmpf ole, %add3A_539, %le3A_540 : vector<80x128xf32>
      %mul3A_542 = vector.broadcast %get3A_467 : f32 to vector<80x128xf32>
      %mul3A_543 = arith.mulf %mul3A_542, %exp3A_538 : vector<80x128xf32>
      %jit3A_544 = arith.constant 0.000000e+00 : f32
      %broadcast_in_dim3A_545 = vector.broadcast %jit3A_544 : f32 to vector<80x128xf32>
      %select_n3A_546 = arith.select %le3A_541, %mul3A_543, %broadcast_in_dim3A_545 : vector<80x128xi1>, vector<80x128xf32>
      %min3A_547 = arith.constant 9.900000e-01 : f32
      %min3A_548 = vector.broadcast %min3A_547 : f32 to vector<80x128xf32>
      %min3A_549 = arith.minimumf %select_n3A_546, %min3A_548 : vector<80x128xf32>
      %add3A_550 = arith.constant 2 : i32
      %add3A_551 = arith.addi %mul3A_16, %add3A_550 : i32
      %get3A_552 = arith.index_cast %add3A_551 : i32 to index
      %get3A_553 = arith.constant 7 : index
      %get3A_554 = memref.load %arg0[%get3A_552, %get3A_553] : memref<1024x16xf32, #tpu.memory_space<smem>>
      %convert_element_type3A_555 = arith.truncf %get3A_554 : f32 to bf16
      %convert_element_type3A_556 = arith.extf %convert_element_type3A_555 : bf16 to f32
      %get3A_557 = arith.index_cast %add3A_551 : i32 to index
      %get3A_558 = arith.constant 8 : index
      %get3A_559 = memref.load %arg0[%get3A_557, %get3A_558] : memref<1024x16xf32, #tpu.memory_space<smem>>
      %convert_element_type3A_560 = arith.truncf %get3A_559 : f32 to bf16
      %convert_element_type3A_561 = arith.extf %convert_element_type3A_560 : bf16 to f32
      %get3A_562 = arith.index_cast %add3A_551 : i32 to index
      %get3A_563 = arith.constant 9 : index
      %get3A_564 = memref.load %arg0[%get3A_562, %get3A_563] : memref<1024x16xf32, #tpu.memory_space<smem>>
      %convert_element_type3A_565 = arith.truncf %get3A_564 : f32 to bf16
      %convert_element_type3A_566 = arith.extf %convert_element_type3A_565 : bf16 to f32
      %get3A_567 = arith.index_cast %multiple_of3A_335 : i32 to index
      %get3A_568 = arith.constant 0 : index
      %get3A_569 = vector.load %arg2[%get3A_567, %get3A_568] : memref<128x128xf32, #tpu.memory_space<vmem>>, vector<80x128xf32>
      %mul3A_570 = arith.mulf %get3A_569, %min3A_375 : vector<80x128xf32>
      %convert_element_type3A_571 = arith.truncf %mul3A_570 : vector<80x128xf32> to vector<80x128xbf16>
      %convert_element_type3A_572 = arith.extf %convert_element_type3A_571 : vector<80x128xbf16> to vector<80x128xf32>
      %get3A_573 = arith.constant 0 : index
      %get3A_574 = arith.index_cast %multiple_of3A_335 : i32 to index
      %get3A_575 = arith.constant 0 : index
      %get3A_576 = vector.load %arg1[%get3A_573, %get3A_574, %get3A_575] : memref<3x128x128xf32, #tpu.memory_space<vmem>>, vector<1x80x128xf32>
      %get3A_577 = vector.shape_cast %get3A_576 : vector<1x80x128xf32> to vector<80x128xf32>
      %mul3A_578 = vector.broadcast %convert_element_type3A_556 : f32 to vector<80x128xf32>
      %mul3A_579 = arith.mulf %convert_element_type3A_572, %mul3A_578 : vector<80x128xf32>
      %add3A_580 = arith.addf %get3A_577, %mul3A_579 : vector<80x128xf32>
      %swap3A_581 = arith.constant 0 : index
      %swap3A_582 = arith.index_cast %multiple_of3A_335 : i32 to index
      %swap3A_583 = arith.constant 0 : index
      %swap3A_584 = vector.load %arg1[%swap3A_581, %swap3A_582, %swap3A_583] : memref<3x128x128xf32, #tpu.memory_space<vmem>>, vector<1x80x128xf32>
      %swap3A_585 = vector.shape_cast %swap3A_584 : vector<1x80x128xf32> to vector<80x128xf32>
      %swap3A_586 = vector.shape_cast %add3A_580 : vector<80x128xf32> to vector<1x80x128xf32>
      tpu.vector_store %arg1[%swap3A_581, %swap3A_582, %swap3A_583], %swap3A_586 {strides = array<i32>} : memref<3x128x128xf32, #tpu.memory_space<vmem>>, vector<1x80x128xf32>,
      %get3A_587 = arith.constant 1 : index
      %get3A_588 = arith.index_cast %multiple_of3A_335 : i32 to index
      %get3A_589 = arith.constant 0 : index
      %get3A_590 = vector.load %arg1[%get3A_587, %get3A_588, %get3A_589] : memref<3x128x128xf32, #tpu.memory_space<vmem>>, vector<1x80x128xf32>
      %get3A_591 = vector.shape_cast %get3A_590 : vector<1x80x128xf32> to vector<80x128xf32>
      %mul3A_592 = vector.broadcast %convert_element_type3A_561 : f32 to vector<80x128xf32>
      %mul3A_593 = arith.mulf %convert_element_type3A_572, %mul3A_592 : vector<80x128xf32>
      %add3A_594 = arith.addf %get3A_591, %mul3A_593 : vector<80x128xf32>
      %swap3A_595 = arith.constant 1 : index
      %swap3A_596 = arith.index_cast %multiple_of3A_335 : i32 to index
      %swap3A_597 = arith.constant 0 : index
      %swap3A_598 = vector.load %arg1[%swap3A_595, %swap3A_596, %swap3A_597] : memref<3x128x128xf32, #tpu.memory_space<vmem>>, vector<1x80x128xf32>
      %swap3A_599 = vector.shape_cast %swap3A_598 : vector<1x80x128xf32> to vector<80x128xf32>
      %swap3A_600 = vector.shape_cast %add3A_594 : vector<80x128xf32> to vector<1x80x128xf32>
      tpu.vector_store %arg1[%swap3A_595, %swap3A_596, %swap3A_597], %swap3A_600 {strides = array<i32>} : memref<3x128x128xf32, #tpu.memory_space<vmem>>, vector<1x80x128xf32>,
      %get3A_601 = arith.constant 2 : index
      %get3A_602 = arith.index_cast %multiple_of3A_335 : i32 to index
      %get3A_603 = arith.constant 0 : index
      %get3A_604 = vector.load %arg1[%get3A_601, %get3A_602, %get3A_603] : memref<3x128x128xf32, #tpu.memory_space<vmem>>, vector<1x80x128xf32>
      %get3A_605 = vector.shape_cast %get3A_604 : vector<1x80x128xf32> to vector<80x128xf32>
      %mul3A_606 = vector.broadcast %convert_element_type3A_566 : f32 to vector<80x128xf32>
      %mul3A_607 = arith.mulf %convert_element_type3A_572, %mul3A_606 : vector<80x128xf32>
      %add3A_608 = arith.addf %get3A_605, %mul3A_607 : vector<80x128xf32>
      %swap3A_609 = arith.constant 2 : index
      %swap3A_610 = arith.index_cast %multiple_of3A_335 : i32 to index
      %swap3A_611 = arith.constant 0 : index
      %swap3A_612 = vector.load %arg1[%swap3A_609, %swap3A_610, %swap3A_611] : memref<3x128x128xf32, #tpu.memory_space<vmem>>, vector<1x80x128xf32>
      %swap3A_613 = vector.shape_cast %swap3A_612 : vector<1x80x128xf32> to vector<80x128xf32>
      %swap3A_614 = vector.shape_cast %add3A_608 : vector<80x128xf32> to vector<1x80x128xf32>
      tpu.vector_store %arg1[%swap3A_609, %swap3A_610, %swap3A_611], %swap3A_614 {strides = array<i32>} : memref<3x128x128xf32, #tpu.memory_space<vmem>>, vector<1x80x128xf32>,
      %sub3A_615 = arith.constant 1.000000e+00 : f32
      %sub3A_616 = vector.broadcast %sub3A_615 : f32 to vector<80x128xf32>
      %sub3A_617 = arith.subf %sub3A_616, %min3A_375 : vector<80x128xf32>
      %mul3A_618 = arith.mulf %get3A_569, %sub3A_617 : vector<80x128xf32>
      %swap3A_619 = arith.index_cast %multiple_of3A_335 : i32 to index
      %swap3A_620 = arith.constant 0 : index
      %swap3A_621 = vector.load %arg2[%swap3A_619, %swap3A_620] : memref<128x128xf32, #tpu.memory_space<vmem>>, vector<80x128xf32>
      tpu.vector_store %arg2[%swap3A_619, %swap3A_620], %mul3A_618 {strides = array<i32>} : memref<128x128xf32, #tpu.memory_space<vmem>>, vector<80x128xf32>,
      %add3A_622 = arith.constant 3 : i32
      %add3A_623 = arith.addi %mul3A_16, %add3A_622 : i32
      %get3A_624 = arith.index_cast %add3A_623 : i32 to index
      %get3A_625 = arith.constant 7 : index
      %get3A_626 = memref.load %arg0[%get3A_624, %get3A_625] : memref<1024x16xf32, #tpu.memory_space<smem>>
      %convert_element_type3A_627 = arith.truncf %get3A_626 : f32 to bf16
      %convert_element_type3A_628 = arith.extf %convert_element_type3A_627 : bf16 to f32
      %get3A_629 = arith.index_cast %add3A_623 : i32 to index
      %get3A_630 = arith.constant 8 : index
      %get3A_631 = memref.load %arg0[%get3A_629, %get3A_630] : memref<1024x16xf32, #tpu.memory_space<smem>>
      %convert_element_type3A_632 = arith.truncf %get3A_631 : f32 to bf16
      %convert_element_type3A_633 = arith.extf %convert_element_type3A_632 : bf16 to f32
      %get3A_634 = arith.index_cast %add3A_623 : i32 to index
      %get3A_635 = arith.constant 9 : index
      %get3A_636 = memref.load %arg0[%get3A_634, %get3A_635] : memref<1024x16xf32, #tpu.memory_space<smem>>
      %convert_element_type3A_637 = arith.truncf %get3A_636 : f32 to bf16
      %convert_element_type3A_638 = arith.extf %convert_element_type3A_637 : bf16 to f32
      %get3A_639 = arith.index_cast %multiple_of3A_509 : i32 to index
      %get3A_640 = arith.constant 0 : index
      %get3A_641 = vector.load %arg2[%get3A_639, %get3A_640] : memref<128x128xf32, #tpu.memory_space<vmem>>, vector<80x128xf32>
      %mul3A_642 = arith.mulf %get3A_641, %min3A_549 : vector<80x128xf32>
      %convert_element_type3A_643 = arith.truncf %mul3A_642 : vector<80x128xf32> to vector<80x128xbf16>
      %convert_element_type3A_644 = arith.extf %convert_element_type3A_643 : vector<80x128xbf16> to vector<80x128xf32>
      %get3A_645 = arith.constant 0 : index
      %get3A_646 = arith.index_cast %multiple_of3A_509 : i32 to index
      %get3A_647 = arith.constant 0 : index
      %get3A_648 = vector.load %arg1[%get3A_645, %get3A_646, %get3A_647] : memref<3x128x128xf32, #tpu.memory_space<vmem>>, vector<1x80x128xf32>
      %get3A_649 = vector.shape_cast %get3A_648 : vector<1x80x128xf32> to vector<80x128xf32>
      %mul3A_650 = vector.broadcast %convert_element_type3A_628 : f32 to vector<80x128xf32>
      %mul3A_651 = arith.mulf %convert_element_type3A_644, %mul3A_650 : vector<80x128xf32>
      %add3A_652 = arith.addf %get3A_649, %mul3A_651 : vector<80x128xf32>
      %swap3A_653 = arith.constant 0 : index
      %swap3A_654 = arith.index_cast %multiple_of3A_509 : i32 to index
      %swap3A_655 = arith.constant 0 : index
      %swap3A_656 = vector.load %arg1[%swap3A_653, %swap3A_654, %swap3A_655] : memref<3x128x128xf32, #tpu.memory_space<vmem>>, vector<1x80x128xf32>
      %swap3A_657 = vector.shape_cast %swap3A_656 : vector<1x80x128xf32> to vector<80x128xf32>
      %swap3A_658 = vector.shape_cast %add3A_652 : vector<80x128xf32> to vector<1x80x128xf32>
      tpu.vector_store %arg1[%swap3A_653, %swap3A_654, %swap3A_655], %swap3A_658 {strides = array<i32>} : memref<3x128x128xf32, #tpu.memory_space<vmem>>, vector<1x80x128xf32>,
      %get3A_659 = arith.constant 1 : index
      %get3A_660 = arith.index_cast %multiple_of3A_509 : i32 to index
      %get3A_661 = arith.constant 0 : index
      %get3A_662 = vector.load %arg1[%get3A_659, %get3A_660, %get3A_661] : memref<3x128x128xf32, #tpu.memory_space<vmem>>, vector<1x80x128xf32>
      %get3A_663 = vector.shape_cast %get3A_662 : vector<1x80x128xf32> to vector<80x128xf32>
      %mul3A_664 = vector.broadcast %convert_element_type3A_633 : f32 to vector<80x128xf32>
      %mul3A_665 = arith.mulf %convert_element_type3A_644, %mul3A_664 : vector<80x128xf32>
      %add3A_666 = arith.addf %get3A_663, %mul3A_665 : vector<80x128xf32>
      %swap3A_667 = arith.constant 1 : index
      %swap3A_668 = arith.index_cast %multiple_of3A_509 : i32 to index
      %swap3A_669 = arith.constant 0 : index
      %swap3A_670 = vector.load %arg1[%swap3A_667, %swap3A_668, %swap3A_669] : memref<3x128x128xf32, #tpu.memory_space<vmem>>, vector<1x80x128xf32>
      %swap3A_671 = vector.shape_cast %swap3A_670 : vector<1x80x128xf32> to vector<80x128xf32>
      %swap3A_672 = vector.shape_cast %add3A_666 : vector<80x128xf32> to vector<1x80x128xf32>
      tpu.vector_store %arg1[%swap3A_667, %swap3A_668, %swap3A_669], %swap3A_672 {strides = array<i32>} : memref<3x128x128xf32, #tpu.memory_space<vmem>>, vector<1x80x128xf32>,
      %get3A_673 = arith.constant 2 : index
      %get3A_674 = arith.index_cast %multiple_of3A_509 : i32 to index
      %get3A_675 = arith.constant 0 : index
      %get3A_676 = vector.load %arg1[%get3A_673, %get3A_674, %get3A_675] : memref<3x128x128xf32, #tpu.memory_space<vmem>>, vector<1x80x128xf32>
      %get3A_677 = vector.shape_cast %get3A_676 : vector<1x80x128xf32> to vector<80x128xf32>
      %mul3A_678 = vector.broadcast %convert_element_type3A_638 : f32 to vector<80x128xf32>
      %mul3A_679 = arith.mulf %convert_element_type3A_644, %mul3A_678 : vector<80x128xf32>
      %add3A_680 = arith.addf %get3A_677, %mul3A_679 : vector<80x128xf32>
      %swap3A_681 = arith.constant 2 : index
      %swap3A_682 = arith.index_cast %multiple_of3A_509 : i32 to index
      %swap3A_683 = arith.constant 0 : index
      %swap3A_684 = vector.load %arg1[%swap3A_681, %swap3A_682, %swap3A_683] : memref<3x128x128xf32, #tpu.memory_space<vmem>>, vector<1x80x128xf32>
      %swap3A_685 = vector.shape_cast %swap3A_684 : vector<1x80x128xf32> to vector<80x128xf32>
      %swap3A_686 = vector.shape_cast %add3A_680 : vector<80x128xf32> to vector<1x80x128xf32>
      tpu.vector_store %arg1[%swap3A_681, %swap3A_682, %swap3A_683], %swap3A_686 {strides = array<i32>} : memref<3x128x128xf32, #tpu.memory_space<vmem>>, vector<1x80x128xf32>,
      %sub3A_687 = arith.constant 1.000000e+00 : f32
      %sub3A_688 = vector.broadcast %sub3A_687 : f32 to vector<80x128xf32>
      %sub3A_689 = arith.subf %sub3A_688, %min3A_549 : vector<80x128xf32>
      %mul3A_690 = arith.mulf %get3A_641, %sub3A_689 : vector<80x128xf32>
      %swap3A_691 = arith.index_cast %multiple_of3A_509 : i32 to index
      %swap3A_692 = arith.constant 0 : index
      %swap3A_693 = vector.load %arg2[%swap3A_691, %swap3A_692] : memref<128x128xf32, #tpu.memory_space<vmem>>, vector<80x128xf32>
      tpu.vector_store %arg2[%swap3A_691, %swap3A_692], %mul3A_690 {strides = array<i32>} : memref<128x128xf32, #tpu.memory_space<vmem>>, vector<80x128xf32>,
    }
    %scan3A_14 = arith.constant 256 : i32
    return
  }
}

</mosaic_0001>

<sc_bundles>
// kernel: kernel.6.cloned.1.call-start
scs
__scs_entry_jumppad:
0x0: {  	(pc) =	sbr.rel $0x88, $3  }
0x1: {  	(tag) =	ssettag $0x0;
	lr =	simm.s32 $0x1  }
0x2: {  	[smem:$0x3F9B] =	sst lr;
	_ =	strace $0xD0000000  }
0x3: {  	_ = 	snop  }
0x4: {  	_ = 	snop  }
0x5: {  	_ = 	snop  }
0x6: {  	_ = 	snop  }
0x7: {  	_ = 	snop  }
__scs_overlays_trampoline_lowered:
0x8: {  	[smem:$0x3FAA] =	sst s0  }
0x9: {  	[smem:$0x3FAB] =	sst s1  }
0xa: {  	[smem:$0x3FAC] =	sst s2  }
0xb: {  	[smem:$0x3FAD] =	sst s3  }
0xc: {  	[smem:$0x3FAE] =	sst s4  }
0xd: {  	[smem:$0x3FAF] =	sst s5  }
0xe: {  	[smem:$0x3FB0] =	sst s6  }
0xf: {  	[smem:$0x3FB1] =	sst s7  }
0x10: {  	[smem:$0x3FB2] =	sst s8  }
0x11: {  	[smem:$0x3FB3] =	sst s9;
	s0 =	simm.s32 @!p0 $0x0  }
0x12: {  	s1 =	sld [smem:$0x3F99];
	s0 =	simm.s32 @p0 $0x1  }
0x13: {  	[smem:$0x3FB4] =	sst s0;
	s0 =	simm.s32 @!p1 $0x0  }
0x14: {  	s2 =	sld [smem:$0x3F98];
	s0 =	simm.s32 @p1 $0x1  }
0x15: {  	[smem:$0x3FB5] =	sst s0;
	s0 =	simm.s32 @!p2 $0x0  }
0x16: {  	s3 =	sld [smem:$0x3FDB];
	s0 =	simm.s32 @p2 $0x1  }
0x17: {  	s4 =	simm.s32 $0x1BF5;
	[smem:$0x3FB7] =	sst s0  }
0x18: {  	s0 =	sld [smem:$0x3F9A];
	_ =	swait.ge [sflag:s4], $0x0  }
0x19: {  	s7 =	sld [smem:$0x3F9B]  }
0x1a: {  	s8 =	sadd.s32 $0xFFFFE003, lr  }
0x1b: {  	s9 =	sadd.s32 $0xFFFFFEF7, lr;
	s5 =	simm.s32 $0xFFFFFFFF;
	p2 =	slt.u32 s8, $0xFFFFF086  }
0x1c: {  	p1 =	slt.u32 s9, $0xF7A;
	s5 =	simm.s32 @!p2 $0x0  }
0x1d: {  	s5 =	simm.s32 @p1 $0x1;
	p0 =	seq.s32 s7, s2  }
0x1e: {  	s7 =	smul.u32 @!p0 $0xF7A, s2;
	p2 =	seq.s32 @!p0 s5, $0x0  }
0x1f: {  	s9 =	smul.u32 $0xF7A, s1;
	s8 =	simm.s32 @!p0 $0x1BF5;
	p2 =	por !p2, p0  }
0x20: {  	[sflag:s8] =	ssyncset.s32 @!p0 $0xFFFFF086;
	s6 =	sadd.s32 @!p0 s3, s7;
	s7 =	simm.s32 @!p0 $0x108  }
0x21: {  	s3 =	sadd.s32 s3, s9;
	s6 =	sadd.s32 @!p0 $0x88, s6;
	s7 =	simm.s32 @p2 $0x1082  }
0x22: {  	[simem:s7], [sflag:s8] =	dma.local @!p0 [hbm:s6], $0xF7A  }
0x23: {  	s9 =	sor.u32 $0xD0000000, s2;
	s6 =	simm.s32 $0x108;
	_ =	swait.ge @!p0 [sflag:s8], $0x0  }
0x24: {  	s3 =	sadd.s32 $0x88, s3;
	s6 =	simm.s32 @!p1 $0x1082;
	[sflag:s4] =	ssyncset.s32 $0xFFFFF086  }
0x25: {  	[simem:s6], [sflag:s4] =	dma.local [hbm:s3], $0xF7A  }
0x26: {  	[smem:$0x3F9B] =	sst s1;
	(tag) =	ssettag s2;
	_ =	strace s9  }
0x27: {  	s1 =	sld [smem:$0x3FAB]  }
0x28: {  	s2 =	sld [smem:$0x3FAC]  }
0x29: {  	s4 =	sld [smem:$0x3FAE]  }
0x2a: {  	p0 =	seq.s32 s5, $0x0;
	s5 =	sld [smem:$0x3FAF]  }
0x2b: {  	s6 =	sld [smem:$0x3FB0]  }
0x2c: {  	s7 =	sld [smem:$0x3FB1]  }
0x2d: {  	s3 =	simm.s32 $0x108;
	s8 =	sld [smem:$0x3FB2]  }
0x2e: {  	s3 =	simm.s32 @!p0 $0x1082;
	s9 =	sld [smem:$0x3FB3]  }
0x2f: {  	lr =	sadd.s32 s0, s3;
	s0 =	sld [smem:$0x3FAA]  }
0x30: {  	s3 =	sld [smem:$0x3FAD]  }
0x31: {  	[smem:$0x3FB6] =	sst s10  }
0x32: {  	s10 =	sld [smem:$0x3FB4];
	_ =	sdelay $0x3  }
0x33: {  	p0 =	seq.s32 s10, $0x1;
	s10 =	sld [smem:$0x3FB6];
	_ =	sdelay $0x3  }
0x34: {  	[smem:$0x3FB6] =	sst s10  }
0x35: {  	s10 =	sld [smem:$0x3FB5];
	_ =	sdelay $0x3  }
0x36: {  	p1 =	seq.s32 s10, $0x1;
	s10 =	sld [smem:$0x3FB6];
	_ =	sdelay $0x3  }
0x37: {  	[smem:$0x3FB6] =	sst s10  }
0x38: {  	s10 =	sld [smem:$0x3FB7]  }
0x39: {  	_ = 	snop;
	(pc) =	sbr.ind lr, $3  }
0x3a: {  	_ = 	snop  }
0x3b: {  	_ = 	snop  }
0x3c: {  	p2 =	seq.s32 s10, $0x1;
	s10 =	sld [smem:$0x3FB6]  }
0x3d: {  	_ =	shalt  }
0x3e: {  	_ =	shalt  }
0x3f: {  	_ =	shalt  }
0x40: {  	_ =	shalt  }
0x41: {  	_ =	shalt  }
0x42: {  	_ =	shalt  }
0x43: {  	_ =	shalt  }
0x44: {  	_ =	shalt  }
0x45: {  	_ =	shalt  }
0x46: {  	_ =	shalt  }
0x47: {  	_ =	shalt  }
0x48: {  	_ =	shalt  }
0x49: {  	_ =	shalt  }
0x4a: {  	_ =	shalt  }
0x4b: {  	_ =	shalt  }
0x4c: {  	_ =	shalt  }
0x4d: {  	_ =	shalt  }
0x4e: {  	_ =	shalt  }
0x4f: {  	_ =	shalt  }
0x50: {  	_ =	shalt  }
0x51: {  	_ =	shalt  }
0x52: {  	_ =	shalt  }
0x53: {  	_ =	shalt  }
0x54: {  	_ =	shalt  }
0x55: {  	_ =	shalt  }
0x56: {  	_ =	shalt  }
0x57: {  	_ =	shalt  }
0x58: {  	_ =	shalt  }
0x59: {  	_ =	shalt  }
0x5a: {  	_ =	shalt  }
0x5b: {  	_ =	shalt  }
0x5c: {  	_ =	shalt  }
0x5d: {  	_ =	shalt  }
0x5e: {  	_ =	shalt  }
0x5f: {  	_ =	shalt  }
0x60: {  	_ =	shalt  }
0x61: {  	_ =	shalt  }
0x62: {  	_ =	shalt  }
0x63: {  	_ =	shalt  }
0x64: {  	_ =	shalt  }
0x65: {  	_ =	shalt  }
0x66: {  	_ =	shalt  }
0x67: {  	_ =	shalt  }
0x68: {  	_ =	shalt  }
0x69: {  	_ =	shalt  }
0x6a: {  	_ =	shalt  }
0x6b: {  	_ =	shalt  }
0x6c: {  	_ =	shalt  }
0x6d: {  	_ =	shalt  }
0x6e: {  	_ =	shalt  }
0x6f: {  	_ =	shalt  }
0x70: {  	_ =	shalt  }
0x71: {  	_ =	shalt  }
0x72: {  	_ =	shalt  }
0x73: {  	_ =	shalt  }
0x74: {  	_ =	shalt  }
0x75: {  	_ =	shalt  }
0x76: {  	_ =	shalt  }
0x77: {  	_ =	shalt  }
0x78: {  	_ =	shalt  }
0x79: {  	_ =	shalt  }
0x7a: {  	_ =	shalt  }
0x7b: {  	_ =	shalt  }
0x7c: {  	_ =	shalt  }
0x7d: {  	_ =	shalt  }
0x7e: {  	_ =	shalt  }
0x7f: {  	_ =	shalt  }
0x80: {  	_ =	shalt  }
0x81: {  	_ =	shalt  }
0x82: {  	_ =	shalt  }
0x83: {  	_ =	shalt  }
0x84: {  	_ =	shalt  }
0x85: {  	_ =	shalt  }
0x86: {  	_ =	shalt  }
0x87: {  	_ =	shalt  }
.Lfunc_end0:
.L_simem_size_0:
called_computation_lowered:
.L_overlay_start_0:
0x88: {  	s2 =	sld [smem:$0x3FD9]  }
0x89: {  	s3 =	sld [smem:$0x3FFE];
	_ =	sdelay $0x1  }
0x8a: {  	s1 =	srdreg.scid  }
0x8b: {  	s0 =	sand.u32 $0x1, s1  }
0x8c: {  	s17 =	sshll.u32 s0, $0xA;
	s2 =	sadd.s32 s3, s2  }
0x8d: {  	s2 =	sadd.s32 s2, s17  }
0x8e: {  	[smem:$0x3FC2] =	sst s2  }
0x8f: {  	_ = 	snop  }
0x90: {  	s2 =	sld [smem:$0x3FD0];
	(tm) =	ssettm $0x1  }
0x91: {  	s18 =	sld [smem:$0x3FFB];
	_ =	sdelay $0x3  }
0x92: {  	_ =	strace s18  }
0x93: {  	s3 =	sld [smem:$0x3FFC];
	_ =	sdelay $0x3  }
0x94: {  	_ =	strace s3  }
0x95: {  	s3 =	sld [smem:$0x3FFD];
	_ =	sdelay $0x3  }
0x96: {  	_ =	strace s3  }
0x97: {  	_ =	strace $0x8FFFFFFF  }
0x98: {  	s19 =	sld [smem:$0x3FDB];
	_ =	sdelay $0x1  }
0x99: {  	s4 =	simm.s32 $_scs_section_size  }
0x9a: {  	s5 =	simm.s32 $_size__tile_overlayer_lowered;
	s6 =	simm.s32 $_tile_overlayer_lowered  }
0x9b: {  	s22 =	simm.s32 $0x1BFF;
	s21 =	sshll.u32 s6, $0x1;
	s3 =	sadd.s32 s4, s19  }
0x9c: {  	s7 =	simm.s32 $0x0;
	s20 =	sshll.u32 s5, $0x1;
	s5 =	sadd.s32 s21, s3  }
0x9d: {  	[timem:s7], [sflag:s22] =	dma.local [hbm:s5], s20  }
0x9e: {  	_ =	swait.ge [sflag:s22], s20  }
0x9f: {  	s4 =	ssub.s32 $0x0, s20;
	[sflag:s22] =	ssyncset.done $0x0  }
0xa0: {  	[sflag:s22] =	ssyncadd.s32 s4;
	_ =	sdelay $0x1  }
0xa1: {  	s23 =	simm.s32 $0x1B8B  }
0xa2: {  	_ =	swait.ge [sflag:s23], $0x1  }
0xa3: {  	[sflag:s23] =	ssyncset.done $0x0  }
0xa4: {  	s25 =	simm.s32 $0x1B8E;
	s24 =	sld [smem:$0x3FFE];
	[sflag:s23] =	ssyncadd.s32 $0xFFFFFFFF  }
0xa5: {  	s26 =	simm.s32 $execute0_lowered;
	[smem:$0x3FD2] =	sst s25  }
0xa6: {  	s5 =	sshll.u32 s26, $0x1;
	_ =	strace $0x80000046;
	[dreg:$0x1] =	wrdreg $0xFFFFFFFF  }
0xa7: {  	s28 =	simm.s32 $_size_execute0_lowered;
	s3 =	sadd.s32 s3, s5;
	[dreg:$0x0] =	wrdreg $0x0  }
0xa8: {  	s5 =	sshll.u32 s28, $0x1;
	[dreg:$0x2] =	wrdreg s3  }
0xa9: {  	[dreg:$0x3] =	wrdreg s5  }
0xaa: {  	[dreg:$0x4] =	wrdreg $0xC0  }
0xab: {  	_ =	task [dreg:s7], $0x5FFFF  }
0xac: {  	[dreg:$0x1] =	wrdreg $0xFFFFFFFF  }
0xad: {  	[dreg:$0x0] =	wrdreg $0x60  }
0xae: {  	[dreg:$0x2] =	wrdreg s24  }
0xaf: {  	[dreg:$0x3] =	wrdreg s2  }
0xb0: {  	[dreg:$0x4] =	wrdreg $0x9  }
0xb1: {  	_ =	task.clear_ibuf [dreg:s7], $0x5FFFF;
	_ =	strace $0x90000046  }
0xb2: {  	s29 =	simm.s32 $0x9;
	_ =	strace $0x80000048  }
0xb3: {  	_ =	swait.ge [sflag:s29], $0x1  }
0xb4: {  	[sflag:s29] =	ssyncadd.s32 $0xFFFFFFFF  }
0xb5: {  	_ =	strace $0x90000048  }
0xb6: {  	_ =	sfence  }
0xb7: {  	s30 =	sld [smem:$0x0];
	_ =	sdelay $0x2  }
0xb8: {  	s31 =	sshll.u32 s1, $0xD;
	s1 =	sshrl.u32 s1, $0x2  }
0xb9: {  	s3 =	sand.u32 $0x4000, s31;
	s1 =	sadd.s32 s1, s30  }
0xba: {  	s0 =	sor.u32 s3, s0;
	s1 =	sshll.u32 s1, $0x11  }
0xbb: {  	s0 =	sor.u32 s1, s0  }
0xbc: {  	s0 =	sadd.s32 $0x8F2B, s0  }
0xbd: {  	[sflag:s0] =	ssyncadd.remote.s32 $0x1  }
0xbe: {  	_ =	sfence.sel $0xFFFF  }
0xbf: {  	[dreg:$0x0] =	wrdreg $0xFFFFFFFF;
	(pc) =	sbr.abs _section_cstart, $3  }
0xc0: {  	[dreg:$0x1] =	wrdreg $0xFFFFFFFF  }
0xc1: {  	_ =	task.clear_ibuf [dreg:s7], $0x2FFFF;
	_ =	strace $0x9FFFFFFF  }
0xc2: {  	(tm) =	ssettm $0x7FFFFFFF  }
0xc3: {  	_ =	shalt  }
tec
execute0_lowered:
.L_overlay_start_1:
0x0: {  	(tag) =	ssettag $0x1  }
0x1: {  	s1 =	srdreg.scid  }
0x2: {  	s7 =	rddreg [dreg:$0x0];
	s0 =	stileid.u32  }
0x3: {  	s3 =	rddreg [dreg:$0x1];
	s2 =	simm.s32 $0x0;
	s5 =	sand.u32 $0x1, s1  }
0x4: {  	s4 =	sshll.u32 s0, $0x6;
	s1 =	rddreg [dreg:$0x2];
	s6 =	sshll.u32 s5, $0x5  }
0x5: {  	[smem:$0x7FF] =	sst s2;
	s6 =	sor.u32 s6, s4  }
0x6: {  	_ =	strace $0x80000047;
	s8 =	ssub.s32 $0x2, s5;
	s4 =	sshrl.u32 s6, $0x3  }
0x7: {  	s9 =	sshrl.u32 s8, $0x1;
	s3 =	sadd.s32 s3, s4;
	s4 =	simm.s32 $0x2  }
0x8: {  	[tilespmem:s2], [sflag:$0x2] =	stream.linear.gather [hbm4b:s3+s2], $0x20, $0x38;
	[tilespmem:$0x1080] =	vst v63  }
0x9: {  	s6 =	sshll.u32 s6, $0x4;
	s8 =	ssub.s32 s8, s9;
	_ =	swait.ge [sflag:s4], $0x20  }
0xa: {  	s31 =	sadd.s32 s6, s7;
	s6 =	simm.s32 $0x80;
	[sflag:s4] =	ssyncset.done $0x0  }
0xb: {  	s10 =	smax.u32 s8, $0x1;
	s5 =	sadd.s32 $0x1600, s31;
	[sflag:s4] =	ssyncadd.s32 $0xFFFFFFE0  }
0xc: {  	[tilespmem:s6], [sflag:$0x2] =	stream.linear.gather [hbm4b:s5+s2], $0x1000, $0x38;
	[tilespmem:$0x1080] =	vst v63  }
0xd: {  	p0 =	sne.s32 s10, $0x1;
	_ =	swait.ge [sflag:s4], $0x1000  }
.Ltmp0:
0xe: {  	s9 =	simm.s32 $0x20;
	[sflag:s4] =	ssyncset.done $0x0;
	(pc) =	sbr.rel @!p0 .LBB2_2-.Ltmp0, $4  }
0xf: {  	s7 =	sadd.s32 $0x5600, s7;
	s8 =	simm.s32 $0x1;
	[sflag:s4] =	ssyncadd.s32 $0xFFFFF000  }
0x10: {  	[hbm4b:s7+s9] =	stream.indirect.scatter [tilespmem:s6], [sflag:$0x1], $0x80, s2, s9, $0xb8;
	[tilespmem:$0x1080] =	vst v63  }
0x11: {  	_ =	swait.ge [sflag:s8], $0x1000  }
0x12: {  	s10 =	sadd.s32 $0xFFFFFFFF, s10;
	[sflag:s8] =	ssyncset.done $0x0  }
.LBB2_1:
0x13: {  	p0 =	sne.s32 s10, $0x1;
	s10 =	sadd.s32 $0xFFFFFFFF, s10;
	[sflag:s8] =	ssyncadd.s32 $0xFFFFF000  }
0x14: {  	[tilespmem:s2], [sflag:$0x2] =	stream.linear.gather [hbm4b:s3+s2], $0x20, $0x38;
	[tilespmem:$0x1080] =	vst v63  }
0x15: {  	_ =	swait.ge [sflag:s4], $0x20  }
0x16: {  	[sflag:s4] =	ssyncset.done $0x0  }
0x17: {  	[sflag:s4] =	ssyncadd.s32 $0xFFFFFFE0  }
0x18: {  	[tilespmem:s6], [sflag:$0x2] =	stream.linear.gather [hbm4b:s5+s2], $0x1000, $0x38;
	[tilespmem:$0x1080] =	vst v63  }
0x19: {  	_ =	swait.ge [sflag:s4], $0x1000  }
.Ltmp1:
0x1a: {  	[sflag:s4] =	ssyncset.done $0x0;
	(pc) =	sbr.rel @p0 .LBB2_1-.Ltmp1, $4  }
0x1b: {  	[sflag:s4] =	ssyncadd.s32 $0xFFFFF000  }
0x1c: {  	[hbm4b:s7+s9] =	stream.indirect.scatter [tilespmem:s6], [sflag:$0x1], $0x80, s2, s9, $0xb8;
	[tilespmem:$0x1080] =	vst v63  }
0x1d: {  	_ =	swait.ge [sflag:s8], $0x1000  }
0x1e: {  	[sflag:s8] =	ssyncset.done $0x0  }
.LBB2_2:
0x1f: {  	[sflag:s8] =	ssyncadd.s32 $0xFFFFF000  }
0x20: {  	_ =	sfence.sel $0x180000  }
0x21: {  	[bflag:$0x0] =	sbarrier.arrive $0xFFFF  }
0x22: {  	p0 =	sne.s32 s0, $0x0;
	_ =	strace $0x90000047  }
0x23: {  	s0 =	sadd.s32 @!p0 $0x100000, s1;
	[bflag:$0x2] =	sbarrier.arrive $0xFFFF  }
0x24: {  	[sflag:s0] =	ssyncadd.tile.s32 @!p0 $0x1;
	_ =	shalt  }
.Lfunc_end2:
_tile_overlayer_lowered:
.L_overlay_start_2:
0x25: {  	(tag) =	ssettag $0x2  }
0x26: {  	s0 =	rddreg [dreg:$0x0];
	s2 =	stileid.u32  }
0x27: {  	s1 =	rddreg [dreg:$0x1];
	p0 =	sne.s32 s2, $0x0  }
0x28: {  	s3 =	rddreg [dreg:$0x2];
	[bflag:$0x3] =	sbarrier.arrive $0xFFFF;
	s2 =	simm.s32 @!p0 $0x1C02  }
0x29: {  	[timem:s3], [sflag:s2] =	dma.local @!p0 [hbm:s0], s1  }
0x2a: {  	s0 =	simm.s32 @!p0 $0x2  }
0x2b: {  	_ =	swait.ge @!p0 [sflag:s0], s1  }
0x2c: {  	s1 =	ssub.s32 @!p0 $0x0, s1;
	[sflag:s0] =	ssyncset.done @!p0 $0x0  }
0x2d: {  	[sflag:s0] =	ssyncadd.s32 @!p0 s1  }
0x2e: {  	[bflag:$0x3] =	sbarrier.arrive $0xFFFF  }
0x2f: {  	_ =	shalt  }

</sc_bundles>
